<compile_context>
chip_gen: v7x
topology: tpu7x:2x2x1
jax: 0.10.2.dev20260603
libtpu: 0.0.44.dev20260713+nightly
codegen_flags: <defaults>
</compile_context>

<pallas_src>
import functools
import math

import jax
import jax.numpy as jnp
from jax import lax
from jax.experimental import pallas as pl
from jax.experimental.pallas import tpu as pltpu
from jax.experimental.pallas import tpu_sc as plsc

N = 10000
E = 320000
D_IN = 128
D_H = 128
D_OUT = 40
D3P = 64

NPAD = 10240
EPAD = 327680
ZROW = N + 128
NC, NS = 2, 16
NW = NC * NS
BNC = 1.0 / math.sqrt(1.0 + 1e-5)

BM = 256
_GRID = NPAD // BM



def _make_sc_agg(D):
    EPT = EPAD // NW
    CH = 256
    NCHUNK = EPT // CH
    RPT = NPAD // NS
    mesh = plsc.VectorSubcoreMesh(core_axis_name="c", subcore_axis_name="s")

    @functools.partial(
        pl.kernel,
        mesh=mesh,
        out_type=(jax.ShapeDtypeStruct((NPAD, D), jnp.float32),
                  jax.ShapeDtypeStruct((NPAD, D), jnp.float32)),
        scratch_types=[
            pltpu.VMEM((CH,), jnp.int32),
            pltpu.VMEM((CH,), jnp.int32),
            pltpu.VMEM((CH, D), jnp.float32),
            pltpu.VMEM_SHARED((NPAD, D), jnp.float32),
            pltpu.SemaphoreType.DMA,
        ],
    )
    def agg_kernel(hs_hbm, zeros_hbm, src_hbm, dst_hbm, out_a, out_b,
                   sidx, didx, rows, acc, sem):
        c = lax.axis_index("c")
        s = lax.axis_index("s")
        rbase = s * RPT

        @pl.when(c == 0)
        def _():
            pltpu.sync_copy(hs_hbm.at[pl.ds(rbase, RPT)],
                            acc.at[pl.ds(rbase, RPT)])

        @pl.when(c != 0)
        def _():
            pltpu.sync_copy(zeros_hbm.at[pl.ds(rbase, RPT)],
                            acc.at[pl.ds(rbase, RPT)])

        plsc.subcore_barrier()

        ebase = (c * NS + s) * EPT

        def body(i, carry):
            b = ebase + i * CH
            pltpu.sync_copy(src_hbm.at[pl.ds(b, CH)], sidx)
            pltpu.sync_copy(dst_hbm.at[pl.ds(b, CH)], didx)
            pltpu.async_copy(hs_hbm.at[sidx], rows, sem).wait()
            pltpu.sync_copy(rows, acc.at[didx], add=True)
            return carry

        lax.fori_loop(0, NCHUNK, body, 0)
        plsc.subcore_barrier()

        @pl.when(c == 0)
        def _():
            pltpu.sync_copy(acc.at[pl.ds(rbase, RPT)],
                            out_a.at[pl.ds(rbase, RPT)])

        @pl.when(c != 0)
        def _():
            pltpu.sync_copy(acc.at[pl.ds(rbase, RPT)],
                            out_b.at[pl.ds(rbase, RPT)])

    return agg_kernel


def _make_sc_deg():
    EPT = EPAD // NW
    CH = 1024
    NCHUNK = EPT // CH
    RPT = NPAD // NS
    mesh = plsc.VectorSubcoreMesh(core_axis_name="c", subcore_axis_name="s")

    @functools.partial(
        pl.kernel,
        mesh=mesh,
        out_type=(jax.ShapeDtypeStruct((NPAD,), jnp.float32),
                  jax.ShapeDtypeStruct((NPAD,), jnp.float32)),
        scratch_types=[
            pltpu.VMEM((CH,), jnp.int32),
            pltpu.VMEM((CH,), jnp.float32),
            pltpu.VMEM_SHARED((NPAD,), jnp.float32),
        ],
    )
    def deg_kernel(dst_hbm, zeros_hbm, out_a, out_b, didx, ones, hist):
        c = lax.axis_index("c")
        s = lax.axis_index("s")
        rbase = s * RPT

        def fill(i, carry):
            ones[pl.ds(i * 16, 16)] = jnp.ones((16,), jnp.float32)
            return carry

        lax.fori_loop(0, CH // 16, fill, 0)
        pltpu.sync_copy(zeros_hbm.at[pl.ds(rbase, RPT)],
                        hist.at[pl.ds(rbase, RPT)])
        plsc.subcore_barrier()

        ebase = (c * NS + s) * EPT

        def body(i, carry):
            pltpu.sync_copy(dst_hbm.at[pl.ds(ebase + i * CH, CH)], didx)
            pltpu.sync_copy(ones, hist.at[didx], add=True)
            return carry

        lax.fori_loop(0, NCHUNK, body, 0)
        plsc.subcore_barrier()

        @pl.when(c == 0)
        def _():
            pltpu.sync_copy(hist.at[pl.ds(rbase, RPT)],
                            out_a.at[pl.ds(rbase, RPT)])

        @pl.when(c != 0)
        def _():
            pltpu.sync_copy(hist.at[pl.ds(rbase, RPT)],
                            out_b.at[pl.ds(rbase, RPT)])

    return deg_kernel



def _row_spec(d):
    return pl.BlockSpec((BM, d), lambda i: (i, 0))


def _full_spec(r, d):
    return pl.BlockSpec((r, d), lambda i: (0, 0))


def _tc1_body(x_ref, w_ref, d0_ref, d1_ref, hs_ref, dinv_ref):
    deg = d0_ref[...] + d1_ref[...] + 1.0
    dv = lax.rsqrt(deg)
    dinv_ref[...] = dv
    h = jnp.dot(x_ref[...], w_ref[...], preferred_element_type=jnp.float32)
    hs_ref[...] = h * dv


def _tc1(x_pad, w1, deg0, deg1):
    return pl.pallas_call(
        _tc1_body,
        grid=(_GRID,),
        in_specs=[_row_spec(D_IN), _full_spec(D_IN, D_H),
                  _row_spec(1), _row_spec(1)],
        out_specs=[_row_spec(D_H), _row_spec(1)],
        out_shape=[jax.ShapeDtypeStruct((NPAD, D_H), jnp.float32),
                   jax.ShapeDtypeStruct((NPAD, 1), jnp.float32)],
    )(x_pad, w1, deg0, deg1)


def _epilogue(aggA, aggB, dv, b, g, be, i):
    z = (aggA + aggB) * dv + b
    u = jnp.maximum(z, 0.0) * (g * BNC) + be
    rows = i * BM + lax.broadcasted_iota(jnp.int32, (BM, 1), 0)
    return jnp.where(rows < N, u, 0.0) * dv


def _tc_mid_body(aggA_ref, aggB_ref, dinv_ref, b_ref, g_ref, be_ref, w_ref,
                 hs_ref):
    u = _epilogue(aggA_ref[...], aggB_ref[...], dinv_ref[...], b_ref[...],
                  g_ref[...], be_ref[...], pl.program_id(0))
    hs_ref[...] = jnp.dot(u, w_ref[...], preferred_element_type=jnp.float32)


def _tc_mid(aggA, aggB, dinv, b, g, be, w_next):
    return pl.pallas_call(
        _tc_mid_body,
        grid=(_GRID,),
        in_specs=[_row_spec(D_H), _row_spec(D_H), _row_spec(1),
                  _full_spec(1, D_H), _full_spec(1, D_H), _full_spec(1, D_H),
                  _full_spec(D_H, D_H)],
        out_specs=[_row_spec(D_H)],
        out_shape=[jax.ShapeDtypeStruct((NPAD, D_H), jnp.float32)],
    )(aggA, aggB, dinv, b, g, be, w_next)[0]


def _tc_pre3_body(aggA_ref, aggB_ref, dinv_ref, b_ref, g_ref, be_ref, q_ref):
    q_ref[...] = _epilogue(aggA_ref[...], aggB_ref[...], dinv_ref[...],
                           b_ref[...], g_ref[...], be_ref[...],
                           pl.program_id(0))


def _tc_pre3(aggA, aggB, dinv, b, g, be):
    return pl.pallas_call(
        _tc_pre3_body,
        grid=(_GRID,),
        in_specs=[_row_spec(D_H), _row_spec(D_H), _row_spec(1),
                  _full_spec(1, D_H), _full_spec(1, D_H), _full_spec(1, D_H)],
        out_specs=[_row_spec(D_H)],
        out_shape=[jax.ShapeDtypeStruct((NPAD, D_H), jnp.float32)],
    )(aggA, aggB, dinv, b, g, be)[0]


def _tc_fin_body(aggA_ref, aggB_ref, dinv_ref, w_ref, b_ref, out_ref):
    h = (aggA_ref[...] + aggB_ref[...]) * dinv_ref[...]
    out_ref[...] = jnp.dot(h, w_ref[...],
                           preferred_element_type=jnp.float32) + b_ref[...]


def _tc_fin(aggA, aggB, dinv, w3p, b3p):
    return pl.pallas_call(
        _tc_fin_body,
        grid=(_GRID,),
        in_specs=[_row_spec(D_H), _row_spec(D_H), _row_spec(1),
                  _full_spec(D_H, D3P), _full_spec(1, D3P)],
        out_specs=[_row_spec(D3P)],
        out_shape=[jax.ShapeDtypeStruct((NPAD, D3P), jnp.float32)],
    )(aggA, aggB, dinv, w3p, b3p)[0]


_sc_agg128 = _make_sc_agg(D_H)
_sc_deg = _make_sc_deg()



def kernel(x, edge_index, W1, b1, g1, be1, W2, b2, g2, be2, W3, b3):
    f32 = jnp.float32
    x_pad = jnp.pad(x, ((0, NPAD - N), (0, 0)))
    epad = jnp.full((EPAD - E,), ZROW, jnp.int32)
    srcp = jnp.concatenate([edge_index[0], epad])
    dstp = jnp.concatenate([edge_index[1], epad])

    zeros128 = jnp.zeros((NPAD, D_H), f32)
    zeros1 = jnp.zeros((NPAD,), f32)
    w3p = jnp.pad(W3, ((0, 0), (0, D3P - D_OUT)))
    b3p = jnp.pad(b3, (0, D3P - D_OUT)).reshape(1, D3P)

    deg0, deg1 = _sc_deg(dstp, zeros1)
    deg0 = deg0.reshape(NPAD, 1)
    deg1 = deg1.reshape(NPAD, 1)

    hs1, dinv = _tc1(x_pad, W1, deg0, deg1)

    a1, p1 = _sc_agg128(hs1, zeros128, srcp, dstp)
    hs2 = _tc_mid(a1, p1, dinv, b1.reshape(1, D_H), g1.reshape(1, D_H),
                  be1.reshape(1, D_H), W2)

    a2, p2 = _sc_agg128(hs2, zeros128, srcp, dstp)
    q3 = _tc_pre3(a2, p2, dinv, b2.reshape(1, D_H), g2.reshape(1, D_H),
                  be2.reshape(1, D_H))

    a3, p3 = _sc_agg128(q3, zeros128, srcp, dstp)
    out64 = _tc_fin(a3, p3, dinv, w3p, b3p)
    return out64[:N, :D_OUT]

# --- scband reference (transcript-rebuilt; emitter-appended) ---
"""Pipeline reference for scband-gcn-56238301774262 (READ-ONLY COPY).

The authoritative reference and input builder live on the scoring server;
editing this copy changes nothing except your own understanding.
"""

import jax, jax.numpy as jnp
import numpy as np

N = 10000
E = 320000
D_IN = 128
D_H = 128
D_OUT = 40
EPS = 1e-5


def setup_inputs(seed: int = 0):
    key = jax.random.key(seed)
    ks = jax.random.split(key, 14)
    inp = {}
    inp['x'] = jax.random.normal(ks[0], (N, D_IN), dtype=jnp.float32)
    inp['edge_index'] = jax.random.randint(ks[1], (2, E), 0, N, dtype=jnp.int32)
    inp['W1'] = jax.random.normal(ks[2], (D_IN, D_H), dtype=jnp.float32) * (1.0 / np.sqrt(D_IN))
    inp['b1'] = jnp.zeros((D_H,), dtype=jnp.float32)
    inp['g1'] = jnp.ones((D_H,), dtype=jnp.float32) + 0.1 * jax.random.normal(ks[3], (D_H,), dtype=jnp.float32)
    inp['be1'] = 0.1 * jax.random.normal(ks[4], (D_H,), dtype=jnp.float32)
    inp['W2'] = jax.random.normal(ks[5], (D_H, D_H), dtype=jnp.float32) * (1.0 / np.sqrt(D_H))
    inp['b2'] = jnp.zeros((D_H,), dtype=jnp.float32)
    inp['g2'] = jnp.ones((D_H,), dtype=jnp.float32) + 0.1 * jax.random.normal(ks[6], (D_H,), dtype=jnp.float32)
    inp['be2'] = 0.1 * jax.random.normal(ks[7], (D_H,), dtype=jnp.float32)
    inp['W3'] = jax.random.normal(ks[8], (D_H, D_OUT), dtype=jnp.float32) * (1.0 / np.sqrt(D_H))
    inp['b3'] = jnp.zeros((D_OUT,), dtype=jnp.float32)
    return inp


def _gcn_norm(edge_index, num_nodes):
    loop = jnp.arange(num_nodes, dtype=edge_index.dtype)
    src = jnp.concatenate([edge_index[0], loop])
    dst = jnp.concatenate([edge_index[1], loop])
    deg = jnp.zeros((num_nodes,), dtype=jnp.float32).at[dst].add(1.0)
    dinv = jnp.where(deg > 0, 1.0 / jnp.sqrt(deg), 0.0)
    norm = dinv[src] * dinv[dst]
    return src, dst, norm


def _gcn_conv(x, src, dst, norm, W, b):
    h = x @ W
    msg = h[src] * norm[:, None]
    out = jnp.zeros((x.shape[0], W.shape[1]), dtype=h.dtype).at[dst].add(msg)
    return out + b


def _bn_eval(x, g, be):
    # BatchNorm1d in eval mode with running_mean=0, running_var=1
    return (x - 0.0) / jnp.sqrt(1.0 + EPS) * g + be


def reference(x, edge_index, W1, b1, g1, be1, W2, b2, g2, be2, W3, b3):
    src, dst, norm = _gcn_norm(edge_index, x.shape[0])
    # dropout is identity in eval mode
    h = jax.nn.relu(_gcn_conv(x, src, dst, norm, W1, b1))
    h = _bn_eval(h, g1, be1)
    h = jax.nn.relu(_gcn_conv(h, src, dst, norm, W2, b2))
    h = _bn_eval(h, g2, be2)
    out = _gcn_conv(h, src, dst, norm, W3, b3)
    return out

if __name__ == "__main__":
    import jax
    _d = setup_inputs()
    print(jax.jit(kernel)(*tuple(_d.values())))

</pallas_src>

<mosaic_0001>
#map = affine_map<(d0, d1) -> (0, 0)>
#map1 = affine_map<(d0, d1) -> (0)>
module attributes {stable_mosaic.version = 14 : i64} {
  func.func @agg_kernel(%arg0: i32, %arg1: i32, %arg2: memref<10240x128xf32, #tpu.memory_space<hbm>>, %arg3: memref<10240x128xf32, #tpu.memory_space<hbm>>, %arg4: memref<327680xi32, #tpu.memory_space<hbm>>, %arg5: memref<327680xi32, #tpu.memory_space<hbm>>, %arg6: memref<10240x128xf32, #tpu.memory_space<hbm>>, %arg7: memref<10240x128xf32, #tpu.memory_space<hbm>>, %arg8: memref<256xi32, #tpu.memory_space<vmem>>, %arg9: memref<256xi32, #tpu.memory_space<vmem>>, %arg10: memref<256x128xf32, #tpu.memory_space<vmem>>, %arg11: memref<10240x128xf32, #tpu.memory_space<vmem_shared>>, %arg12: memref<!tpu.dma_semaphore, #tpu.memory_space<semaphore_mem>>) attributes {dimension_semantics = [#tpu.dimension_semantics<core_parallel>, #tpu.dimension_semantics<subcore_parallel>], iteration_bounds = array<i64: 2, 16>, scalar_prefetch = 0 : i64, scratch_operands = 5 : i64, tpu.core_type = #tpu.core_type<sc_vector_subcore>, window_params = [{transform_indices = #map}, {transform_indices = #map}, {transform_indices = #map1}, {transform_indices = #map1}, {transform_indices = #map}, {transform_indices = #map}]} {
    %mul3A = arith.constant 640 : i32
    %mul3A_0 = arith.muli %arg1, %mul3A : i32
    %eq3A = arith.constant 0 : i32
    %eq3A_1 = arith.cmpi eq, %arg0, %eq3A : i32
    %convert_element_type3A = arith.extui %eq3A_1 : i1 to i32
    %cond3A = arith.constant 0 : i32
    %cond3A_2 = arith.cmpi ne, %convert_element_type3A, %cond3A : i32
    scf.if %cond3A_2 {
      "tpu.region"() ({
        %run_scoped3A = tpu.sem_alloc : memref<!tpu.dma_semaphore, #tpu.memory_space<semaphore_mem>>
        %dma_start3A = arith.constant 0 : i32
        %dma_start3A_27 = tpu.memref_slice %arg11[%mul3A_0, %dma_start3A] : memref<10240x128xf32, #tpu.memory_space<vmem_shared>> -> memref<640x128xf32, #tpu.memory_space<vmem_shared>>
        %dma_start3A_28 = arith.constant 0 : i32
        %dma_start3A_29 = tpu.memref_slice %arg2[%mul3A_0, %dma_start3A_28] : memref<10240x128xf32, #tpu.memory_space<hbm>> -> memref<640x128xf32, #tpu.memory_space<hbm>>
        tpu.enqueue_dma source(%dma_start3A_29 : memref<640x128xf32, #tpu.memory_space<hbm>>) target(%dma_start3A_27 : memref<640x128xf32, #tpu.memory_space<vmem_shared>>) target_semaphore(%run_scoped3A : memref<!tpu.dma_semaphore, #tpu.memory_space<semaphore_mem>>)
        %dma_wait3A = arith.constant 0 : i32
        %dma_wait3A_30 = tpu.memref_slice %arg11[%mul3A_0, %dma_wait3A] : memref<10240x128xf32, #tpu.memory_space<vmem_shared>> -> memref<640x128xf32, #tpu.memory_space<vmem_shared>>
        %dma_wait3A_31 = arith.constant 0 : i32
        %dma_wait3A_32 = tpu.memref_slice %arg2[%mul3A_0, %dma_wait3A_31] : memref<10240x128xf32, #tpu.memory_space<hbm>> -> memref<640x128xf32, #tpu.memory_space<hbm>>
        tpu.wait_dma2 semaphore(%run_scoped3A : memref<!tpu.dma_semaphore, #tpu.memory_space<semaphore_mem>>) src(%dma_wait3A_32 : memref<640x128xf32, #tpu.memory_space<hbm>>) dst(%dma_wait3A_30 : memref<640x128xf32, #tpu.memory_space<vmem_shared>>)
        tpu.yield
      }) : () -> ()
    } else {
    }
    %ne3A = arith.constant 0 : i32
    %ne3A_3 = arith.cmpi ne, %arg0, %ne3A : i32
    %convert_element_type3A_4 = arith.extui %ne3A_3 : i1 to i32
    %cond3A_5 = arith.constant 0 : i32
    %cond3A_6 = arith.cmpi ne, %convert_element_type3A_4, %cond3A_5 : i32
    scf.if %cond3A_6 {
      "tpu.region"() ({
        %run_scoped3A = tpu.sem_alloc : memref<!tpu.dma_semaphore, #tpu.memory_space<semaphore_mem>>
        %dma_start3A = arith.constant 0 : i32
        %dma_start3A_27 = tpu.memref_slice %arg11[%mul3A_0, %dma_start3A] : memref<10240x128xf32, #tpu.memory_space<vmem_shared>> -> memref<640x128xf32, #tpu.memory_space<vmem_shared>>
        %dma_start3A_28 = arith.constant 0 : i32
        %dma_start3A_29 = tpu.memref_slice %arg3[%mul3A_0, %dma_start3A_28] : memref<10240x128xf32, #tpu.memory_space<hbm>> -> memref<640x128xf32, #tpu.memory_space<hbm>>
        tpu.enqueue_dma source(%dma_start3A_29 : memref<640x128xf32, #tpu.memory_space<hbm>>) target(%dma_start3A_27 : memref<640x128xf32, #tpu.memory_space<vmem_shared>>) target_semaphore(%run_scoped3A : memref<!tpu.dma_semaphore, #tpu.memory_space<semaphore_mem>>)
        %dma_wait3A = arith.constant 0 : i32
        %dma_wait3A_30 = tpu.memref_slice %arg11[%mul3A_0, %dma_wait3A] : memref<10240x128xf32, #tpu.memory_space<vmem_shared>> -> memref<640x128xf32, #tpu.memory_space<vmem_shared>>
        %dma_wait3A_31 = arith.constant 0 : i32
        %dma_wait3A_32 = tpu.memref_slice %arg3[%mul3A_0, %dma_wait3A_31] : memref<10240x128xf32, #tpu.memory_space<hbm>> -> memref<640x128xf32, #tpu.memory_space<hbm>>
        tpu.wait_dma2 semaphore(%run_scoped3A : memref<!tpu.dma_semaphore, #tpu.memory_space<semaphore_mem>>) src(%dma_wait3A_32 : memref<640x128xf32, #tpu.memory_space<hbm>>) dst(%dma_wait3A_30 : memref<640x128xf32, #tpu.memory_space<vmem_shared>>)
        tpu.yield
      }) : () -> ()
    } else {
    }
    %barrier3A = arith.constant 0 : index
    tpu.barrier barrier_id(%barrier3A)
    %mul3A_7 = arith.constant 16 : i32
    %mul3A_8 = arith.muli %arg0, %mul3A_7 : i32
    %add3A = arith.addi %mul3A_8, %arg1 : i32
    %mul3A_9 = arith.constant 10240 : i32
    %mul3A_10 = arith.muli %add3A, %mul3A_9 : i32
    %scan3A = arith.constant 0 : i32
    %scan3A_11 = arith.constant 0 : i32
    %scan3A_12 = arith.constant 40 : i32
    %scan3A_13 = arith.addi %scan3A_11, %scan3A_12 : i32
    %scan3A_14 = arith.constant 1 : i32
    scf.for %scan3A_27 = %scan3A_11 to %scan3A_13 step %scan3A_14  : i32 {
      %mul3A_28 = arith.constant 256 : i32
      %mul3A_29 = arith.muli %scan3A_27, %mul3A_28 : i32
      %add3A_30 = arith.addi %mul3A_10, %mul3A_29 : i32
      "tpu.region"() ({
        %run_scoped3A = tpu.sem_alloc : memref<!tpu.dma_semaphore, #tpu.memory_space<semaphore_mem>>
        %dma_start3A_35 = tpu.memref_slice %arg4[%add3A_30] : memref<327680xi32, #tpu.memory_space<hbm>> -> memref<256xi32, #tpu.memory_space<hbm>>
        %dma_start3A_36 = tpu.memref_slice %arg4[%add3A_30] : memref<327680xi32, #tpu.memory_space<hbm>> -> memref<256xi32, #tpu.memory_space<hbm>>
        tpu.enqueue_dma source(%dma_start3A_36 : memref<256xi32, #tpu.memory_space<hbm>>) target(%arg8 : memref<256xi32, #tpu.memory_space<vmem>>) target_semaphore(%run_scoped3A : memref<!tpu.dma_semaphore, #tpu.memory_space<semaphore_mem>>)
        %dma_wait3A_37 = tpu.memref_slice %arg4[%add3A_30] : memref<327680xi32, #tpu.memory_space<hbm>> -> memref<256xi32, #tpu.memory_space<hbm>>
        %dma_wait3A_38 = tpu.memref_slice %arg4[%add3A_30] : memref<327680xi32, #tpu.memory_space<hbm>> -> memref<256xi32, #tpu.memory_space<hbm>>
        tpu.wait_dma2 semaphore(%run_scoped3A : memref<!tpu.dma_semaphore, #tpu.memory_space<semaphore_mem>>) src(%dma_wait3A_38 : memref<256xi32, #tpu.memory_space<hbm>>) dst(%arg8 : memref<256xi32, #tpu.memory_space<vmem>>)
        tpu.yield
      }) : () -> ()
      "tpu.region"() ({
        %run_scoped3A = tpu.sem_alloc : memref<!tpu.dma_semaphore, #tpu.memory_space<semaphore_mem>>
        %dma_start3A_35 = tpu.memref_slice %arg5[%add3A_30] : memref<327680xi32, #tpu.memory_space<hbm>> -> memref<256xi32, #tpu.memory_space<hbm>>
        %dma_start3A_36 = tpu.memref_slice %arg5[%add3A_30] : memref<327680xi32, #tpu.memory_space<hbm>> -> memref<256xi32, #tpu.memory_space<hbm>>
        tpu.enqueue_dma source(%dma_start3A_36 : memref<256xi32, #tpu.memory_space<hbm>>) target(%arg9 : memref<256xi32, #tpu.memory_space<vmem>>) target_semaphore(%run_scoped3A : memref<!tpu.dma_semaphore, #tpu.memory_space<semaphore_mem>>)
        %dma_wait3A_37 = tpu.memref_slice %arg5[%add3A_30] : memref<327680xi32, #tpu.memory_space<hbm>> -> memref<256xi32, #tpu.memory_space<hbm>>
        %dma_wait3A_38 = tpu.memref_slice %arg5[%add3A_30] : memref<327680xi32, #tpu.memory_space<hbm>> -> memref<256xi32, #tpu.memory_space<hbm>>
        tpu.wait_dma2 semaphore(%run_scoped3A : memref<!tpu.dma_semaphore, #tpu.memory_space<semaphore_mem>>) src(%dma_wait3A_38 : memref<256xi32, #tpu.memory_space<hbm>>) dst(%arg9 : memref<256xi32, #tpu.memory_space<vmem>>)
        tpu.yield
      }) : () -> ()
      %dma_start3A = arith.constant 0 : i32
      %dma_start3A_31 = arith.constant 0 : i32
      %dma_start3A_32 = tpu.memref_slice %arg2[%dma_start3A, %dma_start3A_31] : memref<10240x128xf32, #tpu.memory_space<hbm>> -> memref<10240x128xf32, #tpu.memory_space<hbm>>
      tpu.enqueue_indirect_dma source(%dma_start3A_32 : memref<10240x128xf32, #tpu.memory_space<hbm>>) target(%arg10 : memref<256x128xf32, #tpu.memory_space<vmem>>) offsets(%arg8 : memref<256xi32, #tpu.memory_space<vmem>>) semaphore(%arg12 : memref<!tpu.dma_semaphore, #tpu.memory_space<semaphore_mem>>)
      %dma_wait3A = arith.constant 0 : i32
      %dma_wait3A_33 = arith.constant 0 : i32
      %dma_wait3A_34 = tpu.memref_slice %arg2[%dma_wait3A, %dma_wait3A_33] : memref<10240x128xf32, #tpu.memory_space<hbm>> -> memref<10240x128xf32, #tpu.memory_space<hbm>>
      tpu.wait_indirect_dma semaphore(%arg12 : memref<!tpu.dma_semaphore, #tpu.memory_space<semaphore_mem>>) src(%dma_wait3A_34 : memref<10240x128xf32, #tpu.memory_space<hbm>>) dst(%arg10 : memref<256x128xf32, #tpu.memory_space<vmem>>)
      "tpu.region"() ({
        %run_scoped3A = tpu.sem_alloc : memref<!tpu.dma_semaphore, #tpu.memory_space<semaphore_mem>>
        %dma_start3A_35 = arith.constant 0 : i32
        %dma_start3A_36 = arith.constant 0 : i32
        %dma_start3A_37 = tpu.memref_slice %arg11[%dma_start3A_35, %dma_start3A_36] : memref<10240x128xf32, #tpu.memory_space<vmem_shared>> -> memref<10240x128xf32, #tpu.memory_space<vmem_shared>>
        tpu.enqueue_indirect_dma source(%arg10 : memref<256x128xf32, #tpu.memory_space<vmem>>) target(%dma_start3A_37 : memref<10240x128xf32, #tpu.memory_space<vmem_shared>>) offsets(%arg9 : memref<256xi32, #tpu.memory_space<vmem>>) semaphore(%run_scoped3A : memref<!tpu.dma_semaphore, #tpu.memory_space<semaphore_mem>>) {add = true}
        %dma_wait3A_38 = arith.constant 0 : i32
        %dma_wait3A_39 = arith.constant 0 : i32
        %dma_wait3A_40 = tpu.memref_slice %arg11[%dma_wait3A_38, %dma_wait3A_39] : memref<10240x128xf32, #tpu.memory_space<vmem_shared>> -> memref<10240x128xf32, #tpu.memory_space<vmem_shared>>
        tpu.wait_indirect_dma semaphore(%run_scoped3A : memref<!tpu.dma_semaphore, #tpu.memory_space<semaphore_mem>>) src(%arg10 : memref<256x128xf32, #tpu.memory_space<vmem>>) dst(%dma_wait3A_40 : memref<10240x128xf32, #tpu.memory_space<vmem_shared>>)
        tpu.yield
      }) : () -> ()
    }
    %scan3A_15 = arith.constant 40 : i32
    %barrier3A_16 = arith.constant 0 : index
    tpu.barrier barrier_id(%barrier3A_16)
    %eq3A_17 = arith.constant 0 : i32
    %eq3A_18 = arith.cmpi eq, %arg0, %eq3A_17 : i32
    %convert_element_type3A_19 = arith.extui %eq3A_18 : i1 to i32
    %cond3A_20 = arith.constant 0 : i32
    %cond3A_21 = arith.cmpi ne, %convert_element_type3A_19, %cond3A_20 : i32
    scf.if %cond3A_21 {
      "tpu.region"() ({
        %run_scoped3A = tpu.sem_alloc : memref<!tpu.dma_semaphore, #tpu.memory_space<semaphore_mem>>
        %dma_start3A = arith.constant 0 : i32
        %dma_start3A_27 = tpu.memref_slice %arg6[%mul3A_0, %dma_start3A] : memref<10240x128xf32, #tpu.memory_space<hbm>> -> memref<640x128xf32, #tpu.memory_space<hbm>>
        %dma_start3A_28 = arith.constant 0 : i32
        %dma_start3A_29 = tpu.memref_slice %arg11[%mul3A_0, %dma_start3A_28] : memref<10240x128xf32, #tpu.memory_space<vmem_shared>> -> memref<640x128xf32, #tpu.memory_space<vmem_shared>>
        tpu.enqueue_dma source(%dma_start3A_29 : memref<640x128xf32, #tpu.memory_space<vmem_shared>>) target(%dma_start3A_27 : memref<640x128xf32, #tpu.memory_space<hbm>>) target_semaphore(%run_scoped3A : memref<!tpu.dma_semaphore, #tpu.memory_space<semaphore_mem>>)
        %dma_wait3A = arith.constant 0 : i32
        %dma_wait3A_30 = tpu.memref_slice %arg6[%mul3A_0, %dma_wait3A] : memref<10240x128xf32, #tpu.memory_space<hbm>> -> memref<640x128xf32, #tpu.memory_space<hbm>>
        %dma_wait3A_31 = arith.constant 0 : i32
        %dma_wait3A_32 = tpu.memref_slice %arg11[%mul3A_0, %dma_wait3A_31] : memref<10240x128xf32, #tpu.memory_space<vmem_shared>> -> memref<640x128xf32, #tpu.memory_space<vmem_shared>>
        tpu.wait_dma2 semaphore(%run_scoped3A : memref<!tpu.dma_semaphore, #tpu.memory_space<semaphore_mem>>) src(%dma_wait3A_32 : memref<640x128xf32, #tpu.memory_space<vmem_shared>>) dst(%dma_wait3A_30 : memref<640x128xf32, #tpu.memory_space<hbm>>)
        tpu.yield
      }) : () -> ()
    } else {
    }
    %ne3A_22 = arith.constant 0 : i32
    %ne3A_23 = arith.cmpi ne, %arg0, %ne3A_22 : i32
    %convert_element_type3A_24 = arith.extui %ne3A_23 : i1 to i32
    %cond3A_25 = arith.constant 0 : i32
    %cond3A_26 = arith.cmpi ne, %convert_element_type3A_24, %cond3A_25 : i32
    scf.if %cond3A_26 {
      "tpu.region"() ({
        %run_scoped3A = tpu.sem_alloc : memref<!tpu.dma_semaphore, #tpu.memory_space<semaphore_mem>>
        %dma_start3A = arith.constant 0 : i32
        %dma_start3A_27 = tpu.memref_slice %arg7[%mul3A_0, %dma_start3A] : memref<10240x128xf32, #tpu.memory_space<hbm>> -> memref<640x128xf32, #tpu.memory_space<hbm>>
        %dma_start3A_28 = arith.constant 0 : i32
        %dma_start3A_29 = tpu.memref_slice %arg11[%mul3A_0, %dma_start3A_28] : memref<10240x128xf32, #tpu.memory_space<vmem_shared>> -> memref<640x128xf32, #tpu.memory_space<vmem_shared>>
        tpu.enqueue_dma source(%dma_start3A_29 : memref<640x128xf32, #tpu.memory_space<vmem_shared>>) target(%dma_start3A_27 : memref<640x128xf32, #tpu.memory_space<hbm>>) target_semaphore(%run_scoped3A : memref<!tpu.dma_semaphore, #tpu.memory_space<semaphore_mem>>)
        %dma_wait3A = arith.constant 0 : i32
        %dma_wait3A_30 = tpu.memref_slice %arg7[%mul3A_0, %dma_wait3A] : memref<10240x128xf32, #tpu.memory_space<hbm>> -> memref<640x128xf32, #tpu.memory_space<hbm>>
        %dma_wait3A_31 = arith.constant 0 : i32
        %dma_wait3A_32 = tpu.memref_slice %arg11[%mul3A_0, %dma_wait3A_31] : memref<10240x128xf32, #tpu.memory_space<vmem_shared>> -> memref<640x128xf32, #tpu.memory_space<vmem_shared>>
        tpu.wait_dma2 semaphore(%run_scoped3A : memref<!tpu.dma_semaphore, #tpu.memory_space<semaphore_mem>>) src(%dma_wait3A_32 : memref<640x128xf32, #tpu.memory_space<vmem_shared>>) dst(%dma_wait3A_30 : memref<640x128xf32, #tpu.memory_space<hbm>>)
        tpu.yield
      }) : () -> ()
    } else {
    }
    return
  }
}

#map = affine_map<(d0, d1) -> (0, 0)>
#map1 = affine_map<(d0, d1) -> (0)>
module attributes {stable_mosaic.version = 14 : i64} {
  func.func @agg_kernel(%arg0: i32, %arg1: i32, %arg2: memref<10240x128xf32, #tpu.memory_space<hbm>>, %arg3: memref<10240x128xf32, #tpu.memory_space<hbm>>, %arg4: memref<327680xi32, #tpu.memory_space<hbm>>, %arg5: memref<327680xi32, #tpu.memory_space<hbm>>, %arg6: memref<10240x128xf32, #tpu.memory_space<hbm>>, %arg7: memref<10240x128xf32, #tpu.memory_space<hbm>>, %arg8: memref<256xi32, #tpu.memory_space<vmem>>, %arg9: memref<256xi32, #tpu.memory_space<vmem>>, %arg10: memref<256x128xf32, #tpu.memory_space<vmem>>, %arg11: memref<10240x128xf32, #tpu.memory_space<vmem_shared>>, %arg12: memref<!tpu.dma_semaphore, #tpu.memory_space<semaphore_mem>>) attributes {dimension_semantics = [#tpu.dimension_semantics<core_parallel>, #tpu.dimension_semantics<subcore_parallel>], iteration_bounds = array<i64: 2, 16>, scalar_prefetch = 0 : i64, scratch_operands = 5 : i64, tpu.core_type = #tpu.core_type<sc_vector_subcore>, window_params = [{transform_indices = #map}, {transform_indices = #map}, {transform_indices = #map1}, {transform_indices = #map1}, {transform_indices = #map}, {transform_indices = #map}]} {
    %mul3A = arith.constant 640 : i32
    %mul3A_0 = arith.muli %arg1, %mul3A : i32
    %eq3A = arith.constant 0 : i32
    %eq3A_1 = arith.cmpi eq, %arg0, %eq3A : i32
    %convert_element_type3A = arith.extui %eq3A_1 : i1 to i32
    %cond3A = arith.constant 0 : i32
    %cond3A_2 = arith.cmpi ne, %convert_element_type3A, %cond3A : i32
    scf.if %cond3A_2 {
      "tpu.region"() ({
        %run_scoped3A = tpu.sem_alloc : memref<!tpu.dma_semaphore, #tpu.memory_space<semaphore_mem>>
        %dma_start3A = arith.constant 0 : i32
        %dma_start3A_27 = tpu.memref_slice %arg11[%mul3A_0, %dma_start3A] : memref<10240x128xf32, #tpu.memory_space<vmem_shared>> -> memref<640x128xf32, #tpu.memory_space<vmem_shared>>
        %dma_start3A_28 = arith.constant 0 : i32
        %dma_start3A_29 = tpu.memref_slice %arg2[%mul3A_0, %dma_start3A_28] : memref<10240x128xf32, #tpu.memory_space<hbm>> -> memref<640x128xf32, #tpu.memory_space<hbm>>
        tpu.enqueue_dma source(%dma_start3A_29 : memref<640x128xf32, #tpu.memory_space<hbm>>) target(%dma_start3A_27 : memref<640x128xf32, #tpu.memory_space<vmem_shared>>) target_semaphore(%run_scoped3A : memref<!tpu.dma_semaphore, #tpu.memory_space<semaphore_mem>>)
        %dma_wait3A = arith.constant 0 : i32
        %dma_wait3A_30 = tpu.memref_slice %arg11[%mul3A_0, %dma_wait3A] : memref<10240x128xf32, #tpu.memory_space<vmem_shared>> -> memref<640x128xf32, #tpu.memory_space<vmem_shared>>
        %dma_wait3A_31 = arith.constant 0 : i32
        %dma_wait3A_32 = tpu.memref_slice %arg2[%mul3A_0, %dma_wait3A_31] : memref<10240x128xf32, #tpu.memory_space<hbm>> -> memref<640x128xf32, #tpu.memory_space<hbm>>
        tpu.wait_dma2 semaphore(%run_scoped3A : memref<!tpu.dma_semaphore, #tpu.memory_space<semaphore_mem>>) src(%dma_wait3A_32 : memref<640x128xf32, #tpu.memory_space<hbm>>) dst(%dma_wait3A_30 : memref<640x128xf32, #tpu.memory_space<vmem_shared>>)
        tpu.yield
      }) : () -> ()
    } else {
    }
    %ne3A = arith.constant 0 : i32
    %ne3A_3 = arith.cmpi ne, %arg0, %ne3A : i32
    %convert_element_type3A_4 = arith.extui %ne3A_3 : i1 to i32
    %cond3A_5 = arith.constant 0 : i32
    %cond3A_6 = arith.cmpi ne, %convert_element_type3A_4, %cond3A_5 : i32
    scf.if %cond3A_6 {
      "tpu.region"() ({
        %run_scoped3A = tpu.sem_alloc : memref<!tpu.dma_semaphore, #tpu.memory_space<semaphore_mem>>
        %dma_start3A = arith.constant 0 : i32
        %dma_start3A_27 = tpu.memref_slice %arg11[%mul3A_0, %dma_start3A] : memref<10240x128xf32, #tpu.memory_space<vmem_shared>> -> memref<640x128xf32, #tpu.memory_space<vmem_shared>>
        %dma_start3A_28 = arith.constant 0 : i32
        %dma_start3A_29 = tpu.memref_slice %arg3[%mul3A_0, %dma_start3A_28] : memref<10240x128xf32, #tpu.memory_space<hbm>> -> memref<640x128xf32, #tpu.memory_space<hbm>>
        tpu.enqueue_dma source(%dma_start3A_29 : memref<640x128xf32, #tpu.memory_space<hbm>>) target(%dma_start3A_27 : memref<640x128xf32, #tpu.memory_space<vmem_shared>>) target_semaphore(%run_scoped3A : memref<!tpu.dma_semaphore, #tpu.memory_space<semaphore_mem>>)
        %dma_wait3A = arith.constant 0 : i32
        %dma_wait3A_30 = tpu.memref_slice %arg11[%mul3A_0, %dma_wait3A] : memref<10240x128xf32, #tpu.memory_space<vmem_shared>> -> memref<640x128xf32, #tpu.memory_space<vmem_shared>>
        %dma_wait3A_31 = arith.constant 0 : i32
        %dma_wait3A_32 = tpu.memref_slice %arg3[%mul3A_0, %dma_wait3A_31] : memref<10240x128xf32, #tpu.memory_space<hbm>> -> memref<640x128xf32, #tpu.memory_space<hbm>>
        tpu.wait_dma2 semaphore(%run_scoped3A : memref<!tpu.dma_semaphore, #tpu.memory_space<semaphore_mem>>) src(%dma_wait3A_32 : memref<640x128xf32, #tpu.memory_space<hbm>>) dst(%dma_wait3A_30 : memref<640x128xf32, #tpu.memory_space<vmem_shared>>)
        tpu.yield
      }) : () -> ()
    } else {
    }
    %barrier3A = arith.constant 0 : index
    tpu.barrier barrier_id(%barrier3A)
    %mul3A_7 = arith.constant 16 : i32
    %mul3A_8 = arith.muli %arg0, %mul3A_7 : i32
    %add3A = arith.addi %mul3A_8, %arg1 : i32
    %mul3A_9 = arith.constant 10240 : i32
    %mul3A_10 = arith.muli %add3A, %mul3A_9 : i32
    %scan3A = arith.constant 0 : i32
    %scan3A_11 = arith.constant 0 : i32
    %scan3A_12 = arith.constant 40 : i32
    %scan3A_13 = arith.addi %scan3A_11, %scan3A_12 : i32
    %scan3A_14 = arith.constant 1 : i32
    scf.for %scan3A_27 = %scan3A_11 to %scan3A_13 step %scan3A_14  : i32 {
      %mul3A_28 = arith.constant 256 : i32
      %mul3A_29 = arith.muli %scan3A_27, %mul3A_28 : i32
      %add3A_30 = arith.addi %mul3A_10, %mul3A_29 : i32
      "tpu.region"() ({
        %run_scoped3A = tpu.sem_alloc : memref<!tpu.dma_semaphore, #tpu.memory_space<semaphore_mem>>
        %dma_start3A_35 = tpu.memref_slice %arg4[%add3A_30] : memref<327680xi32, #tpu.memory_space<hbm>> -> memref<256xi32, #tpu.memory_space<hbm>>
        %dma_start3A_36 = tpu.memref_slice %arg4[%add3A_30] : memref<327680xi32, #tpu.memory_space<hbm>> -> memref<256xi32, #tpu.memory_space<hbm>>
        tpu.enqueue_dma source(%dma_start3A_36 : memref<256xi32, #tpu.memory_space<hbm>>) target(%arg8 : memref<256xi32, #tpu.memory_space<vmem>>) target_semaphore(%run_scoped3A : memref<!tpu.dma_semaphore, #tpu.memory_space<semaphore_mem>>)
        %dma_wait3A_37 = tpu.memref_slice %arg4[%add3A_30] : memref<327680xi32, #tpu.memory_space<hbm>> -> memref<256xi32, #tpu.memory_space<hbm>>
        %dma_wait3A_38 = tpu.memref_slice %arg4[%add3A_30] : memref<327680xi32, #tpu.memory_space<hbm>> -> memref<256xi32, #tpu.memory_space<hbm>>
        tpu.wait_dma2 semaphore(%run_scoped3A : memref<!tpu.dma_semaphore, #tpu.memory_space<semaphore_mem>>) src(%dma_wait3A_38 : memref<256xi32, #tpu.memory_space<hbm>>) dst(%arg8 : memref<256xi32, #tpu.memory_space<vmem>>)
        tpu.yield
      }) : () -> ()
      "tpu.region"() ({
        %run_scoped3A = tpu.sem_alloc : memref<!tpu.dma_semaphore, #tpu.memory_space<semaphore_mem>>
        %dma_start3A_35 = tpu.memref_slice %arg5[%add3A_30] : memref<327680xi32, #tpu.memory_space<hbm>> -> memref<256xi32, #tpu.memory_space<hbm>>
        %dma_start3A_36 = tpu.memref_slice %arg5[%add3A_30] : memref<327680xi32, #tpu.memory_space<hbm>> -> memref<256xi32, #tpu.memory_space<hbm>>
        tpu.enqueue_dma source(%dma_start3A_36 : memref<256xi32, #tpu.memory_space<hbm>>) target(%arg9 : memref<256xi32, #tpu.memory_space<vmem>>) target_semaphore(%run_scoped3A : memref<!tpu.dma_semaphore, #tpu.memory_space<semaphore_mem>>)
        %dma_wait3A_37 = tpu.memref_slice %arg5[%add3A_30] : memref<327680xi32, #tpu.memory_space<hbm>> -> memref<256xi32, #tpu.memory_space<hbm>>
        %dma_wait3A_38 = tpu.memref_slice %arg5[%add3A_30] : memref<327680xi32, #tpu.memory_space<hbm>> -> memref<256xi32, #tpu.memory_space<hbm>>
        tpu.wait_dma2 semaphore(%run_scoped3A : memref<!tpu.dma_semaphore, #tpu.memory_space<semaphore_mem>>) src(%dma_wait3A_38 : memref<256xi32, #tpu.memory_space<hbm>>) dst(%arg9 : memref<256xi32, #tpu.memory_space<vmem>>)
        tpu.yield
      }) : () -> ()
      %dma_start3A = arith.constant 0 : i32
      %dma_start3A_31 = arith.constant 0 : i32
      %dma_start3A_32 = tpu.memref_slice %arg2[%dma_start3A, %dma_start3A_31] : memref<10240x128xf32, #tpu.memory_space<hbm>> -> memref<10240x128xf32, #tpu.memory_space<hbm>>
      tpu.enqueue_indirect_dma source(%dma_start3A_32 : memref<10240x128xf32, #tpu.memory_space<hbm>>) target(%arg10 : memref<256x128xf32, #tpu.memory_space<vmem>>) offsets(%arg8 : memref<256xi32, #tpu.memory_space<vmem>>) semaphore(%arg12 : memref<!tpu.dma_semaphore, #tpu.memory_space<semaphore_mem>>)
      %dma_wait3A = arith.constant 0 : i32
      %dma_wait3A_33 = arith.constant 0 : i32
      %dma_wait3A_34 = tpu.memref_slice %arg2[%dma_wait3A, %dma_wait3A_33] : memref<10240x128xf32, #tpu.memory_space<hbm>> -> memref<10240x128xf32, #tpu.memory_space<hbm>>
      tpu.wait_indirect_dma semaphore(%arg12 : memref<!tpu.dma_semaphore, #tpu.memory_space<semaphore_mem>>) src(%dma_wait3A_34 : memref<10240x128xf32, #tpu.memory_space<hbm>>) dst(%arg10 : memref<256x128xf32, #tpu.memory_space<vmem>>)
      "tpu.region"() ({
        %run_scoped3A = tpu.sem_alloc : memref<!tpu.dma_semaphore, #tpu.memory_space<semaphore_mem>>
        %dma_start3A_35 = arith.constant 0 : i32
        %dma_start3A_36 = arith.constant 0 : i32
        %dma_start3A_37 = tpu.memref_slice %arg11[%dma_start3A_35, %dma_start3A_36] : memref<10240x128xf32, #tpu.memory_space<vmem_shared>> -> memref<10240x128xf32, #tpu.memory_space<vmem_shared>>
        tpu.enqueue_indirect_dma source(%arg10 : memref<256x128xf32, #tpu.memory_space<vmem>>) target(%dma_start3A_37 : memref<10240x128xf32, #tpu.memory_space<vmem_shared>>) offsets(%arg9 : memref<256xi32, #tpu.memory_space<vmem>>) semaphore(%run_scoped3A : memref<!tpu.dma_semaphore, #tpu.memory_space<semaphore_mem>>) {add = true}
        %dma_wait3A_38 = arith.constant 0 : i32
        %dma_wait3A_39 = arith.constant 0 : i32
        %dma_wait3A_40 = tpu.memref_slice %arg11[%dma_wait3A_38, %dma_wait3A_39] : memref<10240x128xf32, #tpu.memory_space<vmem_shared>> -> memref<10240x128xf32, #tpu.memory_space<vmem_shared>>
        tpu.wait_indirect_dma semaphore(%run_scoped3A : memref<!tpu.dma_semaphore, #tpu.memory_space<semaphore_mem>>) src(%arg10 : memref<256x128xf32, #tpu.memory_space<vmem>>) dst(%dma_wait3A_40 : memref<10240x128xf32, #tpu.memory_space<vmem_shared>>)
        tpu.yield
      }) : () -> ()
    }
    %scan3A_15 = arith.constant 40 : i32
    %barrier3A_16 = arith.constant 0 : index
    tpu.barrier barrier_id(%barrier3A_16)
    %eq3A_17 = arith.constant 0 : i32
    %eq3A_18 = arith.cmpi eq, %arg0, %eq3A_17 : i32
    %convert_element_type3A_19 = arith.extui %eq3A_18 : i1 to i32
    %cond3A_20 = arith.constant 0 : i32
    %cond3A_21 = arith.cmpi ne, %convert_element_type3A_19, %cond3A_20 : i32
    scf.if %cond3A_21 {
      "tpu.region"() ({
        %run_scoped3A = tpu.sem_alloc : memref<!tpu.dma_semaphore, #tpu.memory_space<semaphore_mem>>
        %dma_start3A = arith.constant 0 : i32
        %dma_start3A_27 = tpu.memref_slice %arg6[%mul3A_0, %dma_start3A] : memref<10240x128xf32, #tpu.memory_space<hbm>> -> memref<640x128xf32, #tpu.memory_space<hbm>>
        %dma_start3A_28 = arith.constant 0 : i32
        %dma_start3A_29 = tpu.memref_slice %arg11[%mul3A_0, %dma_start3A_28] : memref<10240x128xf32, #tpu.memory_space<vmem_shared>> -> memref<640x128xf32, #tpu.memory_space<vmem_shared>>
        tpu.enqueue_dma source(%dma_start3A_29 : memref<640x128xf32, #tpu.memory_space<vmem_shared>>) target(%dma_start3A_27 : memref<640x128xf32, #tpu.memory_space<hbm>>) target_semaphore(%run_scoped3A : memref<!tpu.dma_semaphore, #tpu.memory_space<semaphore_mem>>)
        %dma_wait3A = arith.constant 0 : i32
        %dma_wait3A_30 = tpu.memref_slice %arg6[%mul3A_0, %dma_wait3A] : memref<10240x128xf32, #tpu.memory_space<hbm>> -> memref<640x128xf32, #tpu.memory_space<hbm>>
        %dma_wait3A_31 = arith.constant 0 : i32
        %dma_wait3A_32 = tpu.memref_slice %arg11[%mul3A_0, %dma_wait3A_31] : memref<10240x128xf32, #tpu.memory_space<vmem_shared>> -> memref<640x128xf32, #tpu.memory_space<vmem_shared>>
        tpu.wait_dma2 semaphore(%run_scoped3A : memref<!tpu.dma_semaphore, #tpu.memory_space<semaphore_mem>>) src(%dma_wait3A_32 : memref<640x128xf32, #tpu.memory_space<vmem_shared>>) dst(%dma_wait3A_30 : memref<640x128xf32, #tpu.memory_space<hbm>>)
        tpu.yield
      }) : () -> ()
    } else {
    }
    %ne3A_22 = arith.constant 0 : i32
    %ne3A_23 = arith.cmpi ne, %arg0, %ne3A_22 : i32
    %convert_element_type3A_24 = arith.extui %ne3A_23 : i1 to i32
    %cond3A_25 = arith.constant 0 : i32
    %cond3A_26 = arith.cmpi ne, %convert_element_type3A_24, %cond3A_25 : i32
    scf.if %cond3A_26 {
      "tpu.region"() ({
        %run_scoped3A = tpu.sem_alloc : memref<!tpu.dma_semaphore, #tpu.memory_space<semaphore_mem>>
        %dma_start3A = arith.constant 0 : i32
        %dma_start3A_27 = tpu.memref_slice %arg7[%mul3A_0, %dma_start3A] : memref<10240x128xf32, #tpu.memory_space<hbm>> -> memref<640x128xf32, #tpu.memory_space<hbm>>
        %dma_start3A_28 = arith.constant 0 : i32
        %dma_start3A_29 = tpu.memref_slice %arg11[%mul3A_0, %dma_start3A_28] : memref<10240x128xf32, #tpu.memory_space<vmem_shared>> -> memref<640x128xf32, #tpu.memory_space<vmem_shared>>
        tpu.enqueue_dma source(%dma_start3A_29 : memref<640x128xf32, #tpu.memory_space<vmem_shared>>) target(%dma_start3A_27 : memref<640x128xf32, #tpu.memory_space<hbm>>) target_semaphore(%run_scoped3A : memref<!tpu.dma_semaphore, #tpu.memory_space<semaphore_mem>>)
        %dma_wait3A = arith.constant 0 : i32
        %dma_wait3A_30 = tpu.memref_slice %arg7[%mul3A_0, %dma_wait3A] : memref<10240x128xf32, #tpu.memory_space<hbm>> -> memref<640x128xf32, #tpu.memory_space<hbm>>
        %dma_wait3A_31 = arith.constant 0 : i32
        %dma_wait3A_32 = tpu.memref_slice %arg11[%mul3A_0, %dma_wait3A_31] : memref<10240x128xf32, #tpu.memory_space<vmem_shared>> -> memref<640x128xf32, #tpu.memory_space<vmem_shared>>
        tpu.wait_dma2 semaphore(%run_scoped3A : memref<!tpu.dma_semaphore, #tpu.memory_space<semaphore_mem>>) src(%dma_wait3A_32 : memref<640x128xf32, #tpu.memory_space<vmem_shared>>) dst(%dma_wait3A_30 : memref<640x128xf32, #tpu.memory_space<hbm>>)
        tpu.yield
      }) : () -> ()
    } else {
    }
    return
  }
}

#map = affine_map<(d0, d1) -> (0)>
module attributes {stable_mosaic.version = 14 : i64} {
  func.func @deg_kernel(%arg0: i32, %arg1: i32, %arg2: memref<327680xi32, #tpu.memory_space<hbm>>, %arg3: memref<10240xf32, #tpu.memory_space<hbm>>, %arg4: memref<10240xf32, #tpu.memory_space<hbm>>, %arg5: memref<10240xf32, #tpu.memory_space<hbm>>, %arg6: memref<1024xi32, #tpu.memory_space<vmem>>, %arg7: memref<1024xf32, #tpu.memory_space<vmem>>, %arg8: memref<10240xf32, #tpu.memory_space<vmem_shared>>) attributes {dimension_semantics = [#tpu.dimension_semantics<core_parallel>, #tpu.dimension_semantics<subcore_parallel>], iteration_bounds = array<i64: 2, 16>, scalar_prefetch = 0 : i64, scratch_operands = 3 : i64, tpu.core_type = #tpu.core_type<sc_vector_subcore>, window_params = [{transform_indices = #map}, {transform_indices = #map}, {transform_indices = #map}, {transform_indices = #map}]} {
    %mul3A = arith.constant 640 : i32
    %mul3A_0 = arith.muli %arg1, %mul3A : i32
    %scan3A = arith.constant 0 : i32
    %scan3A_1 = arith.constant 0 : i32
    %scan3A_2 = arith.constant 64 : i32
    %scan3A_3 = arith.addi %scan3A_1, %scan3A_2 : i32
    %scan3A_4 = arith.constant 1 : i32
    scf.for %scan3A_23 = %scan3A_1 to %scan3A_3 step %scan3A_4  : i32 {
      %broadcast_in_dim3A = arith.constant 1.000000e+00 : f32
      %broadcast_in_dim3A_24 = vector.broadcast %broadcast_in_dim3A : f32 to vector<16xf32>
      %mul3A_25 = arith.constant 16 : i32
      %mul3A_26 = arith.muli %scan3A_23, %mul3A_25 : i32
      %swap3A = arith.index_cast %mul3A_26 : i32 to index
      %swap3A_27 = tpu.vector_load %arg7[%swap3A] {strides = array<i32>} : memref<1024xf32, #tpu.memory_space<vmem>>, vector<16xf32>,
      %swap3A_28 = vector.shape_cast %swap3A_27 : vector<16xf32> to vector<16xf32>
      %swap3A_29 = vector.shape_cast %broadcast_in_dim3A_24 : vector<16xf32> to vector<16xf32>
      tpu.vector_store %arg7[%swap3A], %swap3A_29 {strides = array<i32>} : memref<1024xf32, #tpu.memory_space<vmem>>, vector<16xf32>,
    }
    %scan3A_5 = arith.constant 64 : i32
    "tpu.region"() ({
      %run_scoped3A = tpu.sem_alloc : memref<!tpu.dma_semaphore, #tpu.memory_space<semaphore_mem>>
      %dma_start3A = tpu.memref_slice %arg8[%mul3A_0] : memref<10240xf32, #tpu.memory_space<vmem_shared>> -> memref<640xf32, #tpu.memory_space<vmem_shared>>
      %dma_start3A_23 = tpu.memref_slice %arg3[%mul3A_0] : memref<10240xf32, #tpu.memory_space<hbm>> -> memref<640xf32, #tpu.memory_space<hbm>>
      tpu.enqueue_dma source(%dma_start3A_23 : memref<640xf32, #tpu.memory_space<hbm>>) target(%dma_start3A : memref<640xf32, #tpu.memory_space<vmem_shared>>) target_semaphore(%run_scoped3A : memref<!tpu.dma_semaphore, #tpu.memory_space<semaphore_mem>>)
      %dma_wait3A = tpu.memref_slice %arg8[%mul3A_0] : memref<10240xf32, #tpu.memory_space<vmem_shared>> -> memref<640xf32, #tpu.memory_space<vmem_shared>>
      %dma_wait3A_24 = tpu.memref_slice %arg3[%mul3A_0] : memref<10240xf32, #tpu.memory_space<hbm>> -> memref<640xf32, #tpu.memory_space<hbm>>
      tpu.wait_dma2 semaphore(%run_scoped3A : memref<!tpu.dma_semaphore, #tpu.memory_space<semaphore_mem>>) src(%dma_wait3A_24 : memref<640xf32, #tpu.memory_space<hbm>>) dst(%dma_wait3A : memref<640xf32, #tpu.memory_space<vmem_shared>>)
      tpu.yield
    }) : () -> ()
    %barrier3A = arith.constant 0 : index
    tpu.barrier barrier_id(%barrier3A)
    %mul3A_6 = arith.constant 16 : i32
    %mul3A_7 = arith.muli %arg0, %mul3A_6 : i32
    %add3A = arith.addi %mul3A_7, %arg1 : i32
    %mul3A_8 = arith.constant 10240 : i32
    %mul3A_9 = arith.muli %add3A, %mul3A_8 : i32
    %scan3A_10 = arith.constant 0 : i32
    %scan3A_11 = arith.constant 0 : i32
    %scan3A_12 = arith.constant 10 : i32
    %scan3A_13 = arith.addi %scan3A_11, %scan3A_12 : i32
    %scan3A_14 = arith.constant 1 : i32
    scf.for %scan3A_23 = %scan3A_11 to %scan3A_13 step %scan3A_14  : i32 {
      %mul3A_24 = arith.constant 1024 : i32
      %mul3A_25 = arith.muli %scan3A_23, %mul3A_24 : i32
      %add3A_26 = arith.addi %mul3A_9, %mul3A_25 : i32
      "tpu.region"() ({
        %run_scoped3A = tpu.sem_alloc : memref<!tpu.dma_semaphore, #tpu.memory_space<semaphore_mem>>
        %dma_start3A = tpu.memref_slice %arg2[%add3A_26] : memref<327680xi32, #tpu.memory_space<hbm>> -> memref<1024xi32, #tpu.memory_space<hbm>>
        %dma_start3A_27 = tpu.memref_slice %arg2[%add3A_26] : memref<327680xi32, #tpu.memory_space<hbm>> -> memref<1024xi32, #tpu.memory_space<hbm>>
        tpu.enqueue_dma source(%dma_start3A_27 : memref<1024xi32, #tpu.memory_space<hbm>>) target(%arg6 : memref<1024xi32, #tpu.memory_space<vmem>>) target_semaphore(%run_scoped3A : memref<!tpu.dma_semaphore, #tpu.memory_space<semaphore_mem>>)
        %dma_wait3A = tpu.memref_slice %arg2[%add3A_26] : memref<327680xi32, #tpu.memory_space<hbm>> -> memref<1024xi32, #tpu.memory_space<hbm>>
        %dma_wait3A_28 = tpu.memref_slice %arg2[%add3A_26] : memref<327680xi32, #tpu.memory_space<hbm>> -> memref<1024xi32, #tpu.memory_space<hbm>>
        tpu.wait_dma2 semaphore(%run_scoped3A : memref<!tpu.dma_semaphore, #tpu.memory_space<semaphore_mem>>) src(%dma_wait3A_28 : memref<1024xi32, #tpu.memory_space<hbm>>) dst(%arg6 : memref<1024xi32, #tpu.memory_space<vmem>>)
        tpu.yield
      }) : () -> ()
      "tpu.region"() ({
        %run_scoped3A = tpu.sem_alloc : memref<!tpu.dma_semaphore, #tpu.memory_space<semaphore_mem>>
        %dma_start3A = arith.constant 0 : i32
        %dma_start3A_27 = tpu.memref_slice %arg8[%dma_start3A] : memref<10240xf32, #tpu.memory_space<vmem_shared>> -> memref<10240xf32, #tpu.memory_space<vmem_shared>>
        tpu.enqueue_indirect_dma source(%arg7 : memref<1024xf32, #tpu.memory_space<vmem>>) target(%dma_start3A_27 : memref<10240xf32, #tpu.memory_space<vmem_shared>>) offsets(%arg6 : memref<1024xi32, #tpu.memory_space<vmem>>) semaphore(%run_scoped3A : memref<!tpu.dma_semaphore, #tpu.memory_space<semaphore_mem>>) {add = true}
        %dma_wait3A = arith.constant 0 : i32
        %dma_wait3A_28 = tpu.memref_slice %arg8[%dma_wait3A] : memref<10240xf32, #tpu.memory_space<vmem_shared>> -> memref<10240xf32, #tpu.memory_space<vmem_shared>>
        tpu.wait_indirect_dma semaphore(%run_scoped3A : memref<!tpu.dma_semaphore, #tpu.memory_space<semaphore_mem>>) src(%arg7 : memref<1024xf32, #tpu.memory_space<vmem>>) dst(%dma_wait3A_28 : memref<10240xf32, #tpu.memory_space<vmem_shared>>)
        tpu.yield
      }) : () -> ()
    }
    %scan3A_15 = arith.constant 10 : i32
    %barrier3A_16 = arith.constant 0 : index
    tpu.barrier barrier_id(%barrier3A_16)
    %eq3A = arith.constant 0 : i32
    %eq3A_17 = arith.cmpi eq, %arg0, %eq3A : i32
    %convert_element_type3A = arith.extui %eq3A_17 : i1 to i32
    %cond3A = arith.constant 0 : i32
    %cond3A_18 = arith.cmpi ne, %convert_element_type3A, %cond3A : i32
    scf.if %cond3A_18 {
      "tpu.region"() ({
        %run_scoped3A = tpu.sem_alloc : memref<!tpu.dma_semaphore, #tpu.memory_space<semaphore_mem>>
        %dma_start3A = tpu.memref_slice %arg4[%mul3A_0] : memref<10240xf32, #tpu.memory_space<hbm>> -> memref<640xf32, #tpu.memory_space<hbm>>
        %dma_start3A_23 = tpu.memref_slice %arg8[%mul3A_0] : memref<10240xf32, #tpu.memory_space<vmem_shared>> -> memref<640xf32, #tpu.memory_space<vmem_shared>>
        tpu.enqueue_dma source(%dma_start3A_23 : memref<640xf32, #tpu.memory_space<vmem_shared>>) target(%dma_start3A : memref<640xf32, #tpu.memory_space<hbm>>) target_semaphore(%run_scoped3A : memref<!tpu.dma_semaphore, #tpu.memory_space<semaphore_mem>>)
        %dma_wait3A = tpu.memref_slice %arg4[%mul3A_0] : memref<10240xf32, #tpu.memory_space<hbm>> -> memref<640xf32, #tpu.memory_space<hbm>>
        %dma_wait3A_24 = tpu.memref_slice %arg8[%mul3A_0] : memref<10240xf32, #tpu.memory_space<vmem_shared>> -> memref<640xf32, #tpu.memory_space<vmem_shared>>
        tpu.wait_dma2 semaphore(%run_scoped3A : memref<!tpu.dma_semaphore, #tpu.memory_space<semaphore_mem>>) src(%dma_wait3A_24 : memref<640xf32, #tpu.memory_space<vmem_shared>>) dst(%dma_wait3A : memref<640xf32, #tpu.memory_space<hbm>>)
        tpu.yield
      }) : () -> ()
    } else {
    }
    %ne3A = arith.constant 0 : i32
    %ne3A_19 = arith.cmpi ne, %arg0, %ne3A : i32
    %convert_element_type3A_20 = arith.extui %ne3A_19 : i1 to i32
    %cond3A_21 = arith.constant 0 : i32
    %cond3A_22 = arith.cmpi ne, %convert_element_type3A_20, %cond3A_21 : i32
    scf.if %cond3A_22 {
      "tpu.region"() ({
        %run_scoped3A = tpu.sem_alloc : memref<!tpu.dma_semaphore, #tpu.memory_space<semaphore_mem>>
        %dma_start3A = tpu.memref_slice %arg5[%mul3A_0] : memref<10240xf32, #tpu.memory_space<hbm>> -> memref<640xf32, #tpu.memory_space<hbm>>
        %dma_start3A_23 = tpu.memref_slice %arg8[%mul3A_0] : memref<10240xf32, #tpu.memory_space<vmem_shared>> -> memref<640xf32, #tpu.memory_space<vmem_shared>>
        tpu.enqueue_dma source(%dma_start3A_23 : memref<640xf32, #tpu.memory_space<vmem_shared>>) target(%dma_start3A : memref<640xf32, #tpu.memory_space<hbm>>) target_semaphore(%run_scoped3A : memref<!tpu.dma_semaphore, #tpu.memory_space<semaphore_mem>>)
        %dma_wait3A = tpu.memref_slice %arg5[%mul3A_0] : memref<10240xf32, #tpu.memory_space<hbm>> -> memref<640xf32, #tpu.memory_space<hbm>>
        %dma_wait3A_24 = tpu.memref_slice %arg8[%mul3A_0] : memref<10240xf32, #tpu.memory_space<vmem_shared>> -> memref<640xf32, #tpu.memory_space<vmem_shared>>
        tpu.wait_dma2 semaphore(%run_scoped3A : memref<!tpu.dma_semaphore, #tpu.memory_space<semaphore_mem>>) src(%dma_wait3A_24 : memref<640xf32, #tpu.memory_space<vmem_shared>>) dst(%dma_wait3A : memref<640xf32, #tpu.memory_space<hbm>>)
        tpu.yield
      }) : () -> ()
    } else {
    }
    return
  }
}

#map = affine_map<(d0, d1) -> (0, 0)>
#map1 = affine_map<(d0, d1) -> (0)>
module attributes {stable_mosaic.version = 14 : i64} {
  func.func @agg_kernel(%arg0: i32, %arg1: i32, %arg2: memref<10240x128xf32, #tpu.memory_space<hbm>>, %arg3: memref<10240x128xf32, #tpu.memory_space<hbm>>, %arg4: memref<327680xi32, #tpu.memory_space<hbm>>, %arg5: memref<327680xi32, #tpu.memory_space<hbm>>, %arg6: memref<10240x128xf32, #tpu.memory_space<hbm>>, %arg7: memref<10240x128xf32, #tpu.memory_space<hbm>>, %arg8: memref<256xi32, #tpu.memory_space<vmem>>, %arg9: memref<256xi32, #tpu.memory_space<vmem>>, %arg10: memref<256x128xf32, #tpu.memory_space<vmem>>, %arg11: memref<10240x128xf32, #tpu.memory_space<vmem_shared>>, %arg12: memref<!tpu.dma_semaphore, #tpu.memory_space<semaphore_mem>>) attributes {dimension_semantics = [#tpu.dimension_semantics<core_parallel>, #tpu.dimension_semantics<subcore_parallel>], iteration_bounds = array<i64: 2, 16>, scalar_prefetch = 0 : i64, scratch_operands = 5 : i64, tpu.core_type = #tpu.core_type<sc_vector_subcore>, window_params = [{transform_indices = #map}, {transform_indices = #map}, {transform_indices = #map1}, {transform_indices = #map1}, {transform_indices = #map}, {transform_indices = #map}]} {
    %mul3A = arith.constant 640 : i32
    %mul3A_0 = arith.muli %arg1, %mul3A : i32
    %eq3A = arith.constant 0 : i32
    %eq3A_1 = arith.cmpi eq, %arg0, %eq3A : i32
    %convert_element_type3A = arith.extui %eq3A_1 : i1 to i32
    %cond3A = arith.constant 0 : i32
    %cond3A_2 = arith.cmpi ne, %convert_element_type3A, %cond3A : i32
    scf.if %cond3A_2 {
      "tpu.region"() ({
        %run_scoped3A = tpu.sem_alloc : memref<!tpu.dma_semaphore, #tpu.memory_space<semaphore_mem>>
        %dma_start3A = arith.constant 0 : i32
        %dma_start3A_27 = tpu.memref_slice %arg11[%mul3A_0, %dma_start3A] : memref<10240x128xf32, #tpu.memory_space<vmem_shared>> -> memref<640x128xf32, #tpu.memory_space<vmem_shared>>
        %dma_start3A_28 = arith.constant 0 : i32
        %dma_start3A_29 = tpu.memref_slice %arg2[%mul3A_0, %dma_start3A_28] : memref<10240x128xf32, #tpu.memory_space<hbm>> -> memref<640x128xf32, #tpu.memory_space<hbm>>
        tpu.enqueue_dma source(%dma_start3A_29 : memref<640x128xf32, #tpu.memory_space<hbm>>) target(%dma_start3A_27 : memref<640x128xf32, #tpu.memory_space<vmem_shared>>) target_semaphore(%run_scoped3A : memref<!tpu.dma_semaphore, #tpu.memory_space<semaphore_mem>>)
        %dma_wait3A = arith.constant 0 : i32
        %dma_wait3A_30 = tpu.memref_slice %arg11[%mul3A_0, %dma_wait3A] : memref<10240x128xf32, #tpu.memory_space<vmem_shared>> -> memref<640x128xf32, #tpu.memory_space<vmem_shared>>
        %dma_wait3A_31 = arith.constant 0 : i32
        %dma_wait3A_32 = tpu.memref_slice %arg2[%mul3A_0, %dma_wait3A_31] : memref<10240x128xf32, #tpu.memory_space<hbm>> -> memref<640x128xf32, #tpu.memory_space<hbm>>
        tpu.wait_dma2 semaphore(%run_scoped3A : memref<!tpu.dma_semaphore, #tpu.memory_space<semaphore_mem>>) src(%dma_wait3A_32 : memref<640x128xf32, #tpu.memory_space<hbm>>) dst(%dma_wait3A_30 : memref<640x128xf32, #tpu.memory_space<vmem_shared>>)
        tpu.yield
      }) : () -> ()
    } else {
    }
    %ne3A = arith.constant 0 : i32
    %ne3A_3 = arith.cmpi ne, %arg0, %ne3A : i32
    %convert_element_type3A_4 = arith.extui %ne3A_3 : i1 to i32
    %cond3A_5 = arith.constant 0 : i32
    %cond3A_6 = arith.cmpi ne, %convert_element_type3A_4, %cond3A_5 : i32
    scf.if %cond3A_6 {
      "tpu.region"() ({
        %run_scoped3A = tpu.sem_alloc : memref<!tpu.dma_semaphore, #tpu.memory_space<semaphore_mem>>
        %dma_start3A = arith.constant 0 : i32
        %dma_start3A_27 = tpu.memref_slice %arg11[%mul3A_0, %dma_start3A] : memref<10240x128xf32, #tpu.memory_space<vmem_shared>> -> memref<640x128xf32, #tpu.memory_space<vmem_shared>>
        %dma_start3A_28 = arith.constant 0 : i32
        %dma_start3A_29 = tpu.memref_slice %arg3[%mul3A_0, %dma_start3A_28] : memref<10240x128xf32, #tpu.memory_space<hbm>> -> memref<640x128xf32, #tpu.memory_space<hbm>>
        tpu.enqueue_dma source(%dma_start3A_29 : memref<640x128xf32, #tpu.memory_space<hbm>>) target(%dma_start3A_27 : memref<640x128xf32, #tpu.memory_space<vmem_shared>>) target_semaphore(%run_scoped3A : memref<!tpu.dma_semaphore, #tpu.memory_space<semaphore_mem>>)
        %dma_wait3A = arith.constant 0 : i32
        %dma_wait3A_30 = tpu.memref_slice %arg11[%mul3A_0, %dma_wait3A] : memref<10240x128xf32, #tpu.memory_space<vmem_shared>> -> memref<640x128xf32, #tpu.memory_space<vmem_shared>>
        %dma_wait3A_31 = arith.constant 0 : i32
        %dma_wait3A_32 = tpu.memref_slice %arg3[%mul3A_0, %dma_wait3A_31] : memref<10240x128xf32, #tpu.memory_space<hbm>> -> memref<640x128xf32, #tpu.memory_space<hbm>>
        tpu.wait_dma2 semaphore(%run_scoped3A : memref<!tpu.dma_semaphore, #tpu.memory_space<semaphore_mem>>) src(%dma_wait3A_32 : memref<640x128xf32, #tpu.memory_space<hbm>>) dst(%dma_wait3A_30 : memref<640x128xf32, #tpu.memory_space<vmem_shared>>)
        tpu.yield
      }) : () -> ()
    } else {
    }
    %barrier3A = arith.constant 0 : index
    tpu.barrier barrier_id(%barrier3A)
    %mul3A_7 = arith.constant 16 : i32
    %mul3A_8 = arith.muli %arg0, %mul3A_7 : i32
    %add3A = arith.addi %mul3A_8, %arg1 : i32
    %mul3A_9 = arith.constant 10240 : i32
    %mul3A_10 = arith.muli %add3A, %mul3A_9 : i32
    %scan3A = arith.constant 0 : i32
    %scan3A_11 = arith.constant 0 : i32
    %scan3A_12 = arith.constant 40 : i32
    %scan3A_13 = arith.addi %scan3A_11, %scan3A_12 : i32
    %scan3A_14 = arith.constant 1 : i32
    scf.for %scan3A_27 = %scan3A_11 to %scan3A_13 step %scan3A_14  : i32 {
      %mul3A_28 = arith.constant 256 : i32
      %mul3A_29 = arith.muli %scan3A_27, %mul3A_28 : i32
      %add3A_30 = arith.addi %mul3A_10, %mul3A_29 : i32
      "tpu.region"() ({
        %run_scoped3A = tpu.sem_alloc : memref<!tpu.dma_semaphore, #tpu.memory_space<semaphore_mem>>
        %dma_start3A_35 = tpu.memref_slice %arg4[%add3A_30] : memref<327680xi32, #tpu.memory_space<hbm>> -> memref<256xi32, #tpu.memory_space<hbm>>
        %dma_start3A_36 = tpu.memref_slice %arg4[%add3A_30] : memref<327680xi32, #tpu.memory_space<hbm>> -> memref<256xi32, #tpu.memory_space<hbm>>
        tpu.enqueue_dma source(%dma_start3A_36 : memref<256xi32, #tpu.memory_space<hbm>>) target(%arg8 : memref<256xi32, #tpu.memory_space<vmem>>) target_semaphore(%run_scoped3A : memref<!tpu.dma_semaphore, #tpu.memory_space<semaphore_mem>>)
        %dma_wait3A_37 = tpu.memref_slice %arg4[%add3A_30] : memref<327680xi32, #tpu.memory_space<hbm>> -> memref<256xi32, #tpu.memory_space<hbm>>
        %dma_wait3A_38 = tpu.memref_slice %arg4[%add3A_30] : memref<327680xi32, #tpu.memory_space<hbm>> -> memref<256xi32, #tpu.memory_space<hbm>>
        tpu.wait_dma2 semaphore(%run_scoped3A : memref<!tpu.dma_semaphore, #tpu.memory_space<semaphore_mem>>) src(%dma_wait3A_38 : memref<256xi32, #tpu.memory_space<hbm>>) dst(%arg8 : memref<256xi32, #tpu.memory_space<vmem>>)
        tpu.yield
      }) : () -> ()
      "tpu.region"() ({
        %run_scoped3A = tpu.sem_alloc : memref<!tpu.dma_semaphore, #tpu.memory_space<semaphore_mem>>
        %dma_start3A_35 = tpu.memref_slice %arg5[%add3A_30] : memref<327680xi32, #tpu.memory_space<hbm>> -> memref<256xi32, #tpu.memory_space<hbm>>
        %dma_start3A_36 = tpu.memref_slice %arg5[%add3A_30] : memref<327680xi32, #tpu.memory_space<hbm>> -> memref<256xi32, #tpu.memory_space<hbm>>
        tpu.enqueue_dma source(%dma_start3A_36 : memref<256xi32, #tpu.memory_space<hbm>>) target(%arg9 : memref<256xi32, #tpu.memory_space<vmem>>) target_semaphore(%run_scoped3A : memref<!tpu.dma_semaphore, #tpu.memory_space<semaphore_mem>>)
        %dma_wait3A_37 = tpu.memref_slice %arg5[%add3A_30] : memref<327680xi32, #tpu.memory_space<hbm>> -> memref<256xi32, #tpu.memory_space<hbm>>
        %dma_wait3A_38 = tpu.memref_slice %arg5[%add3A_30] : memref<327680xi32, #tpu.memory_space<hbm>> -> memref<256xi32, #tpu.memory_space<hbm>>
        tpu.wait_dma2 semaphore(%run_scoped3A : memref<!tpu.dma_semaphore, #tpu.memory_space<semaphore_mem>>) src(%dma_wait3A_38 : memref<256xi32, #tpu.memory_space<hbm>>) dst(%arg9 : memref<256xi32, #tpu.memory_space<vmem>>)
        tpu.yield
      }) : () -> ()
      %dma_start3A = arith.constant 0 : i32
      %dma_start3A_31 = arith.constant 0 : i32
      %dma_start3A_32 = tpu.memref_slice %arg2[%dma_start3A, %dma_start3A_31] : memref<10240x128xf32, #tpu.memory_space<hbm>> -> memref<10240x128xf32, #tpu.memory_space<hbm>>
      tpu.enqueue_indirect_dma source(%dma_start3A_32 : memref<10240x128xf32, #tpu.memory_space<hbm>>) target(%arg10 : memref<256x128xf32, #tpu.memory_space<vmem>>) offsets(%arg8 : memref<256xi32, #tpu.memory_space<vmem>>) semaphore(%arg12 : memref<!tpu.dma_semaphore, #tpu.memory_space<semaphore_mem>>)
      %dma_wait3A = arith.constant 0 : i32
      %dma_wait3A_33 = arith.constant 0 : i32
      %dma_wait3A_34 = tpu.memref_slice %arg2[%dma_wait3A, %dma_wait3A_33] : memref<10240x128xf32, #tpu.memory_space<hbm>> -> memref<10240x128xf32, #tpu.memory_space<hbm>>
      tpu.wait_indirect_dma semaphore(%arg12 : memref<!tpu.dma_semaphore, #tpu.memory_space<semaphore_mem>>) src(%dma_wait3A_34 : memref<10240x128xf32, #tpu.memory_space<hbm>>) dst(%arg10 : memref<256x128xf32, #tpu.memory_space<vmem>>)
      "tpu.region"() ({
        %run_scoped3A = tpu.sem_alloc : memref<!tpu.dma_semaphore, #tpu.memory_space<semaphore_mem>>
        %dma_start3A_35 = arith.constant 0 : i32
        %dma_start3A_36 = arith.constant 0 : i32
        %dma_start3A_37 = tpu.memref_slice %arg11[%dma_start3A_35, %dma_start3A_36] : memref<10240x128xf32, #tpu.memory_space<vmem_shared>> -> memref<10240x128xf32, #tpu.memory_space<vmem_shared>>
        tpu.enqueue_indirect_dma source(%arg10 : memref<256x128xf32, #tpu.memory_space<vmem>>) target(%dma_start3A_37 : memref<10240x128xf32, #tpu.memory_space<vmem_shared>>) offsets(%arg9 : memref<256xi32, #tpu.memory_space<vmem>>) semaphore(%run_scoped3A : memref<!tpu.dma_semaphore, #tpu.memory_space<semaphore_mem>>) {add = true}
        %dma_wait3A_38 = arith.constant 0 : i32
        %dma_wait3A_39 = arith.constant 0 : i32
        %dma_wait3A_40 = tpu.memref_slice %arg11[%dma_wait3A_38, %dma_wait3A_39] : memref<10240x128xf32, #tpu.memory_space<vmem_shared>> -> memref<10240x128xf32, #tpu.memory_space<vmem_shared>>
        tpu.wait_indirect_dma semaphore(%run_scoped3A : memref<!tpu.dma_semaphore, #tpu.memory_space<semaphore_mem>>) src(%arg10 : memref<256x128xf32, #tpu.memory_space<vmem>>) dst(%dma_wait3A_40 : memref<10240x128xf32, #tpu.memory_space<vmem_shared>>)
        tpu.yield
      }) : () -> ()
    }
    %scan3A_15 = arith.constant 40 : i32
    %barrier3A_16 = arith.constant 0 : index
    tpu.barrier barrier_id(%barrier3A_16)
    %eq3A_17 = arith.constant 0 : i32
    %eq3A_18 = arith.cmpi eq, %arg0, %eq3A_17 : i32
    %convert_element_type3A_19 = arith.extui %eq3A_18 : i1 to i32
    %cond3A_20 = arith.constant 0 : i32
    %cond3A_21 = arith.cmpi ne, %convert_element_type3A_19, %cond3A_20 : i32
    scf.if %cond3A_21 {
      "tpu.region"() ({
        %run_scoped3A = tpu.sem_alloc : memref<!tpu.dma_semaphore, #tpu.memory_space<semaphore_mem>>
        %dma_start3A = arith.constant 0 : i32
        %dma_start3A_27 = tpu.memref_slice %arg6[%mul3A_0, %dma_start3A] : memref<10240x128xf32, #tpu.memory_space<hbm>> -> memref<640x128xf32, #tpu.memory_space<hbm>>
        %dma_start3A_28 = arith.constant 0 : i32
        %dma_start3A_29 = tpu.memref_slice %arg11[%mul3A_0, %dma_start3A_28] : memref<10240x128xf32, #tpu.memory_space<vmem_shared>> -> memref<640x128xf32, #tpu.memory_space<vmem_shared>>
        tpu.enqueue_dma source(%dma_start3A_29 : memref<640x128xf32, #tpu.memory_space<vmem_shared>>) target(%dma_start3A_27 : memref<640x128xf32, #tpu.memory_space<hbm>>) target_semaphore(%run_scoped3A : memref<!tpu.dma_semaphore, #tpu.memory_space<semaphore_mem>>)
        %dma_wait3A = arith.constant 0 : i32
        %dma_wait3A_30 = tpu.memref_slice %arg6[%mul3A_0, %dma_wait3A] : memref<10240x128xf32, #tpu.memory_space<hbm>> -> memref<640x128xf32, #tpu.memory_space<hbm>>
        %dma_wait3A_31 = arith.constant 0 : i32
        %dma_wait3A_32 = tpu.memref_slice %arg11[%mul3A_0, %dma_wait3A_31] : memref<10240x128xf32, #tpu.memory_space<vmem_shared>> -> memref<640x128xf32, #tpu.memory_space<vmem_shared>>
        tpu.wait_dma2 semaphore(%run_scoped3A : memref<!tpu.dma_semaphore, #tpu.memory_space<semaphore_mem>>) src(%dma_wait3A_32 : memref<640x128xf32, #tpu.memory_space<vmem_shared>>) dst(%dma_wait3A_30 : memref<640x128xf32, #tpu.memory_space<hbm>>)
        tpu.yield
      }) : () -> ()
    } else {
    }
    %ne3A_22 = arith.constant 0 : i32
    %ne3A_23 = arith.cmpi ne, %arg0, %ne3A_22 : i32
    %convert_element_type3A_24 = arith.extui %ne3A_23 : i1 to i32
    %cond3A_25 = arith.constant 0 : i32
    %cond3A_26 = arith.cmpi ne, %convert_element_type3A_24, %cond3A_25 : i32
    scf.if %cond3A_26 {
      "tpu.region"() ({
        %run_scoped3A = tpu.sem_alloc : memref<!tpu.dma_semaphore, #tpu.memory_space<semaphore_mem>>
        %dma_start3A = arith.constant 0 : i32
        %dma_start3A_27 = tpu.memref_slice %arg7[%mul3A_0, %dma_start3A] : memref<10240x128xf32, #tpu.memory_space<hbm>> -> memref<640x128xf32, #tpu.memory_space<hbm>>
        %dma_start3A_28 = arith.constant 0 : i32
        %dma_start3A_29 = tpu.memref_slice %arg11[%mul3A_0, %dma_start3A_28] : memref<10240x128xf32, #tpu.memory_space<vmem_shared>> -> memref<640x128xf32, #tpu.memory_space<vmem_shared>>
        tpu.enqueue_dma source(%dma_start3A_29 : memref<640x128xf32, #tpu.memory_space<vmem_shared>>) target(%dma_start3A_27 : memref<640x128xf32, #tpu.memory_space<hbm>>) target_semaphore(%run_scoped3A : memref<!tpu.dma_semaphore, #tpu.memory_space<semaphore_mem>>)
        %dma_wait3A = arith.constant 0 : i32
        %dma_wait3A_30 = tpu.memref_slice %arg7[%mul3A_0, %dma_wait3A] : memref<10240x128xf32, #tpu.memory_space<hbm>> -> memref<640x128xf32, #tpu.memory_space<hbm>>
        %dma_wait3A_31 = arith.constant 0 : i32
        %dma_wait3A_32 = tpu.memref_slice %arg11[%mul3A_0, %dma_wait3A_31] : memref<10240x128xf32, #tpu.memory_space<vmem_shared>> -> memref<640x128xf32, #tpu.memory_space<vmem_shared>>
        tpu.wait_dma2 semaphore(%run_scoped3A : memref<!tpu.dma_semaphore, #tpu.memory_space<semaphore_mem>>) src(%dma_wait3A_32 : memref<640x128xf32, #tpu.memory_space<vmem_shared>>) dst(%dma_wait3A_30 : memref<640x128xf32, #tpu.memory_space<hbm>>)
        tpu.yield
      }) : () -> ()
    } else {
    }
    return
  }
}

module attributes {stable_mosaic.version = 14 : i64} {
  func.func @_tc1_body(%arg0: i32, %arg1: memref<256x128xf32, #tpu.memory_space<vmem>>, %arg2: memref<128x128xf32, #tpu.memory_space<vmem>>, %arg3: memref<256x1xf32, #tpu.memory_space<vmem>>, %arg4: memref<256x1xf32, #tpu.memory_space<vmem>>, %arg5: memref<256x128xf32, #tpu.memory_space<vmem>>, %arg6: memref<256x1xf32, #tpu.memory_space<vmem>>) attributes {dimension_semantics = [#tpu.dimension_semantics<arbitrary>], iteration_bounds = array<i64: 40>, scalar_prefetch = 0 : i64, scratch_operands = 0 : i64, tpu.core_type = #tpu.core_type<tc>, window_params = [{transform_indices = @transform_0, window_bounds = array<i64: 256, 128>}, {pipeline_mode = #tpu.pipeline_mode<synchronous>, transform_indices = @transform_1, window_bounds = array<i64: 128, 128>}, {transform_indices = @transform_2, window_bounds = array<i64: 256, 1>}, {transform_indices = @transform_3, window_bounds = array<i64: 256, 1>}, {transform_indices = @transform_4, window_bounds = array<i64: 256, 128>}, {transform_indices = @transform_5, window_bounds = array<i64: 256, 1>}]} {
    %get3A = arith.constant 0 : index
    %get3A_0 = arith.constant 0 : index
    %get3A_1 = vector.load %arg3[%get3A, %get3A_0] : memref<256x1xf32, #tpu.memory_space<vmem>>, vector<256x1xf32>
    %get3A_2 = arith.constant 0 : index
    %get3A_3 = arith.constant 0 : index
    %get3A_4 = vector.load %arg4[%get3A_2, %get3A_3] : memref<256x1xf32, #tpu.memory_space<vmem>>, vector<256x1xf32>
    %add3A = arith.addf %get3A_1, %get3A_4 : vector<256x1xf32>
    %add3A_5 = arith.constant 1.000000e+00 : f32
    %add3A_6 = vector.broadcast %add3A_5 : f32 to vector<256x1xf32>
    %add3A_7 = arith.addf %add3A, %add3A_6 : vector<256x1xf32>
    %rsqrt3A = math.rsqrt %add3A_7 : vector<256x1xf32>
    %swap3A = arith.constant 0 : index
    %swap3A_8 = arith.constant 0 : index
    %swap3A_9 = vector.load %arg6[%swap3A, %swap3A_8] : memref<256x1xf32, #tpu.memory_space<vmem>>, vector<256x1xf32>
    tpu.vector_store %arg6[%swap3A, %swap3A_8], %rsqrt3A {strides = array<i32>} : memref<256x1xf32, #tpu.memory_space<vmem>>, vector<256x1xf32>,
    %get3A_10 = arith.constant 0 : index
    %get3A_11 = arith.constant 0 : index
    %get3A_12 = vector.load %arg1[%get3A_10, %get3A_11] : memref<256x128xf32, #tpu.memory_space<vmem>>, vector<256x128xf32>
    %get3A_13 = arith.constant 0 : index
    %get3A_14 = arith.constant 0 : index
    %get3A_15 = vector.load %arg2[%get3A_13, %get3A_14] : memref<128x128xf32, #tpu.memory_space<vmem>>, vector<128x128xf32>
    %dot_general3A = arith.constant dense<0.000000e+00> : vector<256x128xf32>
    %dot_general3A_16 = tpu.matmul %get3A_12, %get3A_15, %dot_general3A {dimension_numbers = #tpu.dot_dimension_numbers<[1], [0], [0], [1], [0, 0, 1, 1], [], []>, transpose_lhs_hint = false} : vector<256x128xf32>, vector<128x128xf32>, vector<256x128xf32> -> vector<256x128xf32>
    %mul3A = vector.broadcast %rsqrt3A : vector<256x1xf32> to vector<256x128xf32>
    %mul3A_17 = arith.mulf %dot_general3A_16, %mul3A : vector<256x128xf32>
    %swap3A_18 = arith.constant 0 : index
    %swap3A_19 = arith.constant 0 : index
    %swap3A_20 = vector.load %arg5[%swap3A_18, %swap3A_19] : memref<256x128xf32, #tpu.memory_space<vmem>>, vector<256x128xf32>
    tpu.vector_store %arg5[%swap3A_18, %swap3A_19], %mul3A_17 {strides = array<i32>} : memref<256x128xf32, #tpu.memory_space<vmem>>, vector<256x128xf32>,
    return
  }
  func.func @transform_0(%arg0: i32) -> (i32, i32) {
    %c0_i32 = arith.constant 0 : i32
    %c0_i32_0 = arith.constant 0 : i32
    return %arg0, %c0_i32 : i32, i32
  }
  func.func @transform_1(%arg0: i32) -> (i32, i32) {
    %c0_i32 = arith.constant 0 : i32
    %c0_i32_0 = arith.constant 0 : i32
    %c0_i32_1 = arith.constant 0 : i32
    return %c0_i32, %c0_i32_0 : i32, i32
  }
  func.func @transform_2(%arg0: i32) -> (i32, i32) {
    %c0_i32 = arith.constant 0 : i32
    %c0_i32_0 = arith.constant 0 : i32
    return %arg0, %c0_i32 : i32, i32
  }
  func.func @transform_3(%arg0: i32) -> (i32, i32) {
    %c0_i32 = arith.constant 0 : i32
    %c0_i32_0 = arith.constant 0 : i32
    return %arg0, %c0_i32 : i32, i32
  }
  func.func @transform_4(%arg0: i32) -> (i32, i32) {
    %c0_i32 = arith.constant 0 : i32
    %c0_i32_0 = arith.constant 0 : i32
    return %arg0, %c0_i32 : i32, i32
  }
  func.func @transform_5(%arg0: i32) -> (i32, i32) {
    %c0_i32 = arith.constant 0 : i32
    %c0_i32_0 = arith.constant 0 : i32
    return %arg0, %c0_i32 : i32, i32
  }
}

module attributes {stable_mosaic.version = 14 : i64} {
  func.func @_tc_mid_body(%arg0: i32, %arg1: memref<256x128xf32, #tpu.memory_space<vmem>>, %arg2: memref<256x128xf32, #tpu.memory_space<vmem>>, %arg3: memref<256x1xf32, #tpu.memory_space<vmem>>, %arg4: memref<1x128xf32, #tpu.memory_space<vmem>>, %arg5: memref<1x128xf32, #tpu.memory_space<vmem>>, %arg6: memref<1x128xf32, #tpu.memory_space<vmem>>, %arg7: memref<128x128xf32, #tpu.memory_space<vmem>>, %arg8: memref<256x128xf32, #tpu.memory_space<vmem>>) attributes {dimension_semantics = [#tpu.dimension_semantics<arbitrary>], iteration_bounds = array<i64: 40>, scalar_prefetch = 0 : i64, scratch_operands = 0 : i64, tpu.core_type = #tpu.core_type<tc>, window_params = [{transform_indices = @transform_0, window_bounds = array<i64: 256, 128>}, {transform_indices = @transform_1, window_bounds = array<i64: 256, 128>}, {transform_indices = @transform_2, window_bounds = array<i64: 256, 1>}, {pipeline_mode = #tpu.pipeline_mode<synchronous>, transform_indices = @transform_3, window_bounds = array<i64: 1, 128>}, {pipeline_mode = #tpu.pipeline_mode<synchronous>, transform_indices = @transform_4, window_bounds = array<i64: 1, 128>}, {pipeline_mode = #tpu.pipeline_mode<synchronous>, transform_indices = @transform_5, window_bounds = array<i64: 1, 128>}, {pipeline_mode = #tpu.pipeline_mode<synchronous>, transform_indices = @transform_6, window_bounds = array<i64: 128, 128>}, {transform_indices = @transform_7, window_bounds = array<i64: 256, 128>}]} {
    %get3A = arith.constant 0 : index
    %get3A_0 = arith.constant 0 : index
    %get3A_1 = vector.load %arg1[%get3A, %get3A_0] : memref<256x128xf32, #tpu.memory_space<vmem>>, vector<256x128xf32>
    %get3A_2 = arith.constant 0 : index
    %get3A_3 = arith.constant 0 : index
    %get3A_4 = vector.load %arg2[%get3A_2, %get3A_3] : memref<256x128xf32, #tpu.memory_space<vmem>>, vector<256x128xf32>
    %get3A_5 = arith.constant 0 : index
    %get3A_6 = arith.constant 0 : index
    %get3A_7 = vector.load %arg3[%get3A_5, %get3A_6] : memref<256x1xf32, #tpu.memory_space<vmem>>, vector<256x1xf32>
    %get3A_8 = arith.constant 0 : index
    %get3A_9 = arith.constant 0 : index
    %get3A_10 = vector.load %arg4[%get3A_8, %get3A_9] : memref<1x128xf32, #tpu.memory_space<vmem>>, vector<1x128xf32>
    %get3A_11 = arith.constant 0 : index
    %get3A_12 = arith.constant 0 : index
    %get3A_13 = vector.load %arg5[%get3A_11, %get3A_12] : memref<1x128xf32, #tpu.memory_space<vmem>>, vector<1x128xf32>
    %get3A_14 = arith.constant 0 : index
    %get3A_15 = arith.constant 0 : index
    %get3A_16 = vector.load %arg6[%get3A_14, %get3A_15] : memref<1x128xf32, #tpu.memory_space<vmem>>, vector<1x128xf32>
    %add3A = arith.addf %get3A_1, %get3A_4 : vector<256x128xf32>
    %mul3A = vector.broadcast %get3A_7 : vector<256x1xf32> to vector<256x128xf32>
    %mul3A_17 = arith.mulf %add3A, %mul3A : vector<256x128xf32>
    %add3A_18 = vector.broadcast %get3A_10 : vector<1x128xf32> to vector<256x128xf32>
    %add3A_19 = arith.addf %mul3A_17, %add3A_18 : vector<256x128xf32>
    %max3A = arith.constant 0.000000e+00 : f32
    %max3A_20 = vector.broadcast %max3A : f32 to vector<256x128xf32>
    %max3A_21 = arith.maximumf %add3A_19, %max3A_20 : vector<256x128xf32>
    %mul3A_22 = arith.constant 0.999994993 : f32
    %mul3A_23 = vector.broadcast %mul3A_22 : f32 to vector<1x128xf32>
    %mul3A_24 = arith.mulf %get3A_13, %mul3A_23 : vector<1x128xf32>
    %mul3A_25 = vector.broadcast %mul3A_24 : vector<1x128xf32> to vector<256x128xf32>
    %mul3A_26 = arith.mulf %max3A_21, %mul3A_25 : vector<256x128xf32>
    %add3A_27 = vector.broadcast %get3A_16 : vector<1x128xf32> to vector<256x128xf32>
    %add3A_28 = arith.addf %mul3A_26, %add3A_27 : vector<256x128xf32>
    %mul3A_29 = arith.constant 256 : i32
    %mul3A_30 = arith.muli %arg0, %mul3A_29 : i32
    %iota3A = tpu.iota {dimensions = array<i32: 0>} : vector<256x1xi32>
    %add3A_31 = vector.broadcast %mul3A_30 : i32 to vector<256x1xi32>
    %add3A_32 = arith.addi %add3A_31, %iota3A : vector<256x1xi32>
    %lt3A = arith.constant 10000 : i32
    %lt3A_33 = vector.broadcast %lt3A : i32 to vector<256x1xi32>
    %lt3A_34 = arith.cmpi slt, %add3A_32, %lt3A_33 : vector<256x1xi32>
    %jit3A = arith.constant 0.000000e+00 : f32
    %broadcast_in_dim3A = vector.shape_cast %lt3A_34 : vector<256x1xi1> to vector<256x1xi1>
    %broadcast_in_dim3A_35 = vector.broadcast %broadcast_in_dim3A : vector<256x1xi1> to vector<256x128xi1>
    %broadcast_in_dim3A_36 = vector.broadcast %jit3A : f32 to vector<256x128xf32>
    %select_n3A = arith.select %broadcast_in_dim3A_35, %add3A_28, %broadcast_in_dim3A_36 : vector<256x128xi1>, vector<256x128xf32>
    %mul3A_37 = vector.broadcast %get3A_7 : vector<256x1xf32> to vector<256x128xf32>
    %mul3A_38 = arith.mulf %select_n3A, %mul3A_37 : vector<256x128xf32>
    %get3A_39 = arith.constant 0 : index
    %get3A_40 = arith.constant 0 : index
    %get3A_41 = vector.load %arg7[%get3A_39, %get3A_40] : memref<128x128xf32, #tpu.memory_space<vmem>>, vector<128x128xf32>
    %dot_general3A = arith.constant dense<0.000000e+00> : vector<256x128xf32>
    %dot_general3A_42 = tpu.matmul %mul3A_38, %get3A_41, %dot_general3A {dimension_numbers = #tpu.dot_dimension_numbers<[1], [0], [0], [1], [0, 0, 1, 1], [], []>, transpose_lhs_hint = false} : vector<256x128xf32>, vector<128x128xf32>, vector<256x128xf32> -> vector<256x128xf32>
    %swap3A = arith.constant 0 : index
    %swap3A_43 = arith.constant 0 : index
    %swap3A_44 = vector.load %arg8[%swap3A, %swap3A_43] : memref<256x128xf32, #tpu.memory_space<vmem>>, vector<256x128xf32>
    tpu.vector_store %arg8[%swap3A, %swap3A_43], %dot_general3A_42 {strides = array<i32>} : memref<256x128xf32, #tpu.memory_space<vmem>>, vector<256x128xf32>,
    return
  }
  func.func @transform_0(%arg0: i32) -> (i32, i32) {
    %c0_i32 = arith.constant 0 : i32
    %c0_i32_0 = arith.constant 0 : i32
    return %arg0, %c0_i32 : i32, i32
  }
  func.func @transform_1(%arg0: i32) -> (i32, i32) {
    %c0_i32 = arith.constant 0 : i32
    %c0_i32_0 = arith.constant 0 : i32
    return %arg0, %c0_i32 : i32, i32
  }
  func.func @transform_2(%arg0: i32) -> (i32, i32) {
    %c0_i32 = arith.constant 0 : i32
    %c0_i32_0 = arith.constant 0 : i32
    return %arg0, %c0_i32 : i32, i32
  }
  func.func @transform_3(%arg0: i32) -> (i32, i32) {
    %c0_i32 = arith.constant 0 : i32
    %c0_i32_0 = arith.constant 0 : i32
    %c0_i32_1 = arith.constant 0 : i32
    return %c0_i32, %c0_i32_0 : i32, i32
  }
  func.func @transform_4(%arg0: i32) -> (i32, i32) {
    %c0_i32 = arith.constant 0 : i32
    %c0_i32_0 = arith.constant 0 : i32
    %c0_i32_1 = arith.constant 0 : i32
    return %c0_i32, %c0_i32_0 : i32, i32
  }
  func.func @transform_5(%arg0: i32) -> (i32, i32) {
    %c0_i32 = arith.constant 0 : i32
    %c0_i32_0 = arith.constant 0 : i32
    %c0_i32_1 = arith.constant 0 : i32
    return %c0_i32, %c0_i32_0 : i32, i32
  }
  func.func @transform_6(%arg0: i32) -> (i32, i32) {
    %c0_i32 = arith.constant 0 : i32
    %c0_i32_0 = arith.constant 0 : i32
    %c0_i32_1 = arith.constant 0 : i32
    return %c0_i32, %c0_i32_0 : i32, i32
  }
  func.func @transform_7(%arg0: i32) -> (i32, i32) {
    %c0_i32 = arith.constant 0 : i32
    %c0_i32_0 = arith.constant 0 : i32
    return %arg0, %c0_i32 : i32, i32
  }
}

module attributes {stable_mosaic.version = 14 : i64} {
  func.func @_tc_pre3_body(%arg0: i32, %arg1: memref<256x128xf32, #tpu.memory_space<vmem>>, %arg2: memref<256x128xf32, #tpu.memory_space<vmem>>, %arg3: memref<256x1xf32, #tpu.memory_space<vmem>>, %arg4: memref<1x128xf32, #tpu.memory_space<vmem>>, %arg5: memref<1x128xf32, #tpu.memory_space<vmem>>, %arg6: memref<1x128xf32, #tpu.memory_space<vmem>>, %arg7: memref<256x128xf32, #tpu.memory_space<vmem>>) attributes {dimension_semantics = [#tpu.dimension_semantics<arbitrary>], iteration_bounds = array<i64: 40>, scalar_prefetch = 0 : i64, scratch_operands = 0 : i64, tpu.core_type = #tpu.core_type<tc>, window_params = [{transform_indices = @transform_0, window_bounds = array<i64: 256, 128>}, {transform_indices = @transform_1, window_bounds = array<i64: 256, 128>}, {transform_indices = @transform_2, window_bounds = array<i64: 256, 1>}, {pipeline_mode = #tpu.pipeline_mode<synchronous>, transform_indices = @transform_3, window_bounds = array<i64: 1, 128>}, {pipeline_mode = #tpu.pipeline_mode<synchronous>, transform_indices = @transform_4, window_bounds = array<i64: 1, 128>}, {pipeline_mode = #tpu.pipeline_mode<synchronous>, transform_indices = @transform_5, window_bounds = array<i64: 1, 128>}, {transform_indices = @transform_6, window_bounds = array<i64: 256, 128>}]} {
    %get3A = arith.constant 0 : index
    %get3A_0 = arith.constant 0 : index
    %get3A_1 = vector.load %arg1[%get3A, %get3A_0] : memref<256x128xf32, #tpu.memory_space<vmem>>, vector<256x128xf32>
    %get3A_2 = arith.constant 0 : index
    %get3A_3 = arith.constant 0 : index
    %get3A_4 = vector.load %arg2[%get3A_2, %get3A_3] : memref<256x128xf32, #tpu.memory_space<vmem>>, vector<256x128xf32>
    %get3A_5 = arith.constant 0 : index
    %get3A_6 = arith.constant 0 : index
    %get3A_7 = vector.load %arg3[%get3A_5, %get3A_6] : memref<256x1xf32, #tpu.memory_space<vmem>>, vector<256x1xf32>
    %get3A_8 = arith.constant 0 : index
    %get3A_9 = arith.constant 0 : index
    %get3A_10 = vector.load %arg4[%get3A_8, %get3A_9] : memref<1x128xf32, #tpu.memory_space<vmem>>, vector<1x128xf32>
    %get3A_11 = arith.constant 0 : index
    %get3A_12 = arith.constant 0 : index
    %get3A_13 = vector.load %arg5[%get3A_11, %get3A_12] : memref<1x128xf32, #tpu.memory_space<vmem>>, vector<1x128xf32>
    %get3A_14 = arith.constant 0 : index
    %get3A_15 = arith.constant 0 : index
    %get3A_16 = vector.load %arg6[%get3A_14, %get3A_15] : memref<1x128xf32, #tpu.memory_space<vmem>>, vector<1x128xf32>
    %add3A = arith.addf %get3A_1, %get3A_4 : vector<256x128xf32>
    %mul3A = vector.broadcast %get3A_7 : vector<256x1xf32> to vector<256x128xf32>
    %mul3A_17 = arith.mulf %add3A, %mul3A : vector<256x128xf32>
    %add3A_18 = vector.broadcast %get3A_10 : vector<1x128xf32> to vector<256x128xf32>
    %add3A_19 = arith.addf %mul3A_17, %add3A_18 : vector<256x128xf32>
    %max3A = arith.constant 0.000000e+00 : f32
    %max3A_20 = vector.broadcast %max3A : f32 to vector<256x128xf32>
    %max3A_21 = arith.maximumf %add3A_19, %max3A_20 : vector<256x128xf32>
    %mul3A_22 = arith.constant 0.999994993 : f32
    %mul3A_23 = vector.broadcast %mul3A_22 : f32 to vector<1x128xf32>
    %mul3A_24 = arith.mulf %get3A_13, %mul3A_23 : vector<1x128xf32>
    %mul3A_25 = vector.broadcast %mul3A_24 : vector<1x128xf32> to vector<256x128xf32>
    %mul3A_26 = arith.mulf %max3A_21, %mul3A_25 : vector<256x128xf32>
    %add3A_27 = vector.broadcast %get3A_16 : vector<1x128xf32> to vector<256x128xf32>
    %add3A_28 = arith.addf %mul3A_26, %add3A_27 : vector<256x128xf32>
    %mul3A_29 = arith.constant 256 : i32
    %mul3A_30 = arith.muli %arg0, %mul3A_29 : i32
    %iota3A = tpu.iota {dimensions = array<i32: 0>} : vector<256x1xi32>
    %add3A_31 = vector.broadcast %mul3A_30 : i32 to vector<256x1xi32>
    %add3A_32 = arith.addi %add3A_31, %iota3A : vector<256x1xi32>
    %lt3A = arith.constant 10000 : i32
    %lt3A_33 = vector.broadcast %lt3A : i32 to vector<256x1xi32>
    %lt3A_34 = arith.cmpi slt, %add3A_32, %lt3A_33 : vector<256x1xi32>
    %jit3A = arith.constant 0.000000e+00 : f32
    %broadcast_in_dim3A = vector.shape_cast %lt3A_34 : vector<256x1xi1> to vector<256x1xi1>
    %broadcast_in_dim3A_35 = vector.broadcast %broadcast_in_dim3A : vector<256x1xi1> to vector<256x128xi1>
    %broadcast_in_dim3A_36 = vector.broadcast %jit3A : f32 to vector<256x128xf32>
    %select_n3A = arith.select %broadcast_in_dim3A_35, %add3A_28, %broadcast_in_dim3A_36 : vector<256x128xi1>, vector<256x128xf32>
    %mul3A_37 = vector.broadcast %get3A_7 : vector<256x1xf32> to vector<256x128xf32>
    %mul3A_38 = arith.mulf %select_n3A, %mul3A_37 : vector<256x128xf32>
    %swap3A = arith.constant 0 : index
    %swap3A_39 = arith.constant 0 : index
    %swap3A_40 = vector.load %arg7[%swap3A, %swap3A_39] : memref<256x128xf32, #tpu.memory_space<vmem>>, vector<256x128xf32>
    tpu.vector_store %arg7[%swap3A, %swap3A_39], %mul3A_38 {strides = array<i32>} : memref<256x128xf32, #tpu.memory_space<vmem>>, vector<256x128xf32>,
    return
  }
  func.func @transform_0(%arg0: i32) -> (i32, i32) {
    %c0_i32 = arith.constant 0 : i32
    %c0_i32_0 = arith.constant 0 : i32
    return %arg0, %c0_i32 : i32, i32
  }
  func.func @transform_1(%arg0: i32) -> (i32, i32) {
    %c0_i32 = arith.constant 0 : i32
    %c0_i32_0 = arith.constant 0 : i32
    return %arg0, %c0_i32 : i32, i32
  }
  func.func @transform_2(%arg0: i32) -> (i32, i32) {
    %c0_i32 = arith.constant 0 : i32
    %c0_i32_0 = arith.constant 0 : i32
    return %arg0, %c0_i32 : i32, i32
  }
  func.func @transform_3(%arg0: i32) -> (i32, i32) {
    %c0_i32 = arith.constant 0 : i32
    %c0_i32_0 = arith.constant 0 : i32
    %c0_i32_1 = arith.constant 0 : i32
    return %c0_i32, %c0_i32_0 : i32, i32
  }
  func.func @transform_4(%arg0: i32) -> (i32, i32) {
    %c0_i32 = arith.constant 0 : i32
    %c0_i32_0 = arith.constant 0 : i32
    %c0_i32_1 = arith.constant 0 : i32
    return %c0_i32, %c0_i32_0 : i32, i32
  }
  func.func @transform_5(%arg0: i32) -> (i32, i32) {
    %c0_i32 = arith.constant 0 : i32
    %c0_i32_0 = arith.constant 0 : i32
    %c0_i32_1 = arith.constant 0 : i32
    return %c0_i32, %c0_i32_0 : i32, i32
  }
  func.func @transform_6(%arg0: i32) -> (i32, i32) {
    %c0_i32 = arith.constant 0 : i32
    %c0_i32_0 = arith.constant 0 : i32
    return %arg0, %c0_i32 : i32, i32
  }
}

module attributes {stable_mosaic.version = 14 : i64} {
  func.func @_tc_fin_body(%arg0: i32, %arg1: memref<256x128xf32, #tpu.memory_space<vmem>>, %arg2: memref<256x128xf32, #tpu.memory_space<vmem>>, %arg3: memref<256x1xf32, #tpu.memory_space<vmem>>, %arg4: memref<128x64xf32, #tpu.memory_space<vmem>>, %arg5: memref<1x64xf32, #tpu.memory_space<vmem>>, %arg6: memref<256x64xf32, #tpu.memory_space<vmem>>) attributes {dimension_semantics = [#tpu.dimension_semantics<arbitrary>], iteration_bounds = array<i64: 40>, scalar_prefetch = 0 : i64, scratch_operands = 0 : i64, tpu.core_type = #tpu.core_type<tc>, window_params = [{transform_indices = @transform_0, window_bounds = array<i64: 256, 128>}, {transform_indices = @transform_1, window_bounds = array<i64: 256, 128>}, {transform_indices = @transform_2, window_bounds = array<i64: 256, 1>}, {pipeline_mode = #tpu.pipeline_mode<synchronous>, transform_indices = @transform_3, window_bounds = array<i64: 128, 64>}, {pipeline_mode = #tpu.pipeline_mode<synchronous>, transform_indices = @transform_4, window_bounds = array<i64: 1, 64>}, {transform_indices = @transform_5, window_bounds = array<i64: 256, 64>}]} {
    %get3A = arith.constant 0 : index
    %get3A_0 = arith.constant 0 : index
    %get3A_1 = vector.load %arg1[%get3A, %get3A_0] : memref<256x128xf32, #tpu.memory_space<vmem>>, vector<256x128xf32>
    %get3A_2 = arith.constant 0 : index
    %get3A_3 = arith.constant 0 : index
    %get3A_4 = vector.load %arg2[%get3A_2, %get3A_3] : memref<256x128xf32, #tpu.memory_space<vmem>>, vector<256x128xf32>
    %add3A = arith.addf %get3A_1, %get3A_4 : vector<256x128xf32>
    %get3A_5 = arith.constant 0 : index
    %get3A_6 = arith.constant 0 : index
    %get3A_7 = vector.load %arg3[%get3A_5, %get3A_6] : memref<256x1xf32, #tpu.memory_space<vmem>>, vector<256x1xf32>
    %mul3A = vector.broadcast %get3A_7 : vector<256x1xf32> to vector<256x128xf32>
    %mul3A_8 = arith.mulf %add3A, %mul3A : vector<256x128xf32>
    %get3A_9 = arith.constant 0 : index
    %get3A_10 = arith.constant 0 : index
    %get3A_11 = vector.load %arg4[%get3A_9, %get3A_10] : memref<128x64xf32, #tpu.memory_space<vmem>>, vector<128x64xf32>
    %dot_general3A = arith.constant dense<0.000000e+00> : vector<256x64xf32>
    %dot_general3A_12 = tpu.matmul %mul3A_8, %get3A_11, %dot_general3A {dimension_numbers = #tpu.dot_dimension_numbers<[1], [0], [0], [1], [0, 0, 1, 1], [], []>, transpose_lhs_hint = false} : vector<256x128xf32>, vector<128x64xf32>, vector<256x64xf32> -> vector<256x64xf32>
    %get3A_13 = arith.constant 0 : index
    %get3A_14 = arith.constant 0 : index
    %get3A_15 = vector.load %arg5[%get3A_13, %get3A_14] : memref<1x64xf32, #tpu.memory_space<vmem>>, vector<1x64xf32>
    %add3A_16 = vector.broadcast %get3A_15 : vector<1x64xf32> to vector<256x64xf32>
    %add3A_17 = arith.addf %dot_general3A_12, %add3A_16 : vector<256x64xf32>
    %swap3A = arith.constant 0 : index
    %swap3A_18 = arith.constant 0 : index
    %swap3A_19 = vector.load %arg6[%swap3A, %swap3A_18] : memref<256x64xf32, #tpu.memory_space<vmem>>, vector<256x64xf32>
    tpu.vector_store %arg6[%swap3A, %swap3A_18], %add3A_17 {strides = array<i32>} : memref<256x64xf32, #tpu.memory_space<vmem>>, vector<256x64xf32>,
    return
  }
  func.func @transform_0(%arg0: i32) -> (i32, i32) {
    %c0_i32 = arith.constant 0 : i32
    %c0_i32_0 = arith.constant 0 : i32
    return %arg0, %c0_i32 : i32, i32
  }
  func.func @transform_1(%arg0: i32) -> (i32, i32) {
    %c0_i32 = arith.constant 0 : i32
    %c0_i32_0 = arith.constant 0 : i32
    return %arg0, %c0_i32 : i32, i32
  }
  func.func @transform_2(%arg0: i32) -> (i32, i32) {
    %c0_i32 = arith.constant 0 : i32
    %c0_i32_0 = arith.constant 0 : i32
    return %arg0, %c0_i32 : i32, i32
  }
  func.func @transform_3(%arg0: i32) -> (i32, i32) {
    %c0_i32 = arith.constant 0 : i32
    %c0_i32_0 = arith.constant 0 : i32
    %c0_i32_1 = arith.constant 0 : i32
    return %c0_i32, %c0_i32_0 : i32, i32
  }
  func.func @transform_4(%arg0: i32) -> (i32, i32) {
    %c0_i32 = arith.constant 0 : i32
    %c0_i32_0 = arith.constant 0 : i32
    %c0_i32_1 = arith.constant 0 : i32
    return %c0_i32, %c0_i32_0 : i32, i32
  }
  func.func @transform_5(%arg0: i32) -> (i32, i32) {
    %c0_i32 = arith.constant 0 : i32
    %c0_i32_0 = arith.constant 0 : i32
    return %arg0, %c0_i32 : i32, i32
  }
}

</mosaic_0001>

<sc_bundles>
// kernel: kernel.10.cloned.1.call-start
scs
__scs_entry_jumppad:
0x0: {  	(pc) =	sbr.rel $0x88, $3  }
0x1: {  	(tag) =	ssettag $0x0;
	lr =	simm.s32 $0x1  }
0x2: {  	[smem:$0x3F95] =	sst lr;
	_ =	strace $0xD0000000  }
0x3: {  	_ = 	snop  }
0x4: {  	_ = 	snop  }
0x5: {  	_ = 	snop  }
0x6: {  	_ = 	snop  }
0x7: {  	_ = 	snop  }
__scs_overlays_trampoline_lowered:
0x8: {  	[smem:$0x3FA4] =	sst s0  }
0x9: {  	[smem:$0x3FA5] =	sst s1  }
0xa: {  	[smem:$0x3FA6] =	sst s2  }
0xb: {  	[smem:$0x3FA7] =	sst s3  }
0xc: {  	[smem:$0x3FA8] =	sst s4  }
0xd: {  	[smem:$0x3FA9] =	sst s5  }
0xe: {  	[smem:$0x3FAA] =	sst s6  }
0xf: {  	[smem:$0x3FAB] =	sst s7  }
0x10: {  	[smem:$0x3FAC] =	sst s8  }
0x11: {  	[smem:$0x3FAD] =	sst s9;
	s0 =	simm.s32 @!p0 $0x0  }
0x12: {  	s1 =	sld [smem:$0x3F93];
	s0 =	simm.s32 @p0 $0x1  }
0x13: {  	[smem:$0x3FAE] =	sst s0;
	s0 =	simm.s32 @!p1 $0x0  }
0x14: {  	s2 =	sld [smem:$0x3F92];
	s0 =	simm.s32 @p1 $0x1  }
0x15: {  	[smem:$0x3FAF] =	sst s0;
	s0 =	simm.s32 @!p2 $0x0  }
0x16: {  	s3 =	sld [smem:$0x3FDB];
	s0 =	simm.s32 @p2 $0x1  }
0x17: {  	s4 =	simm.s32 $0x1BF5;
	[smem:$0x3FB1] =	sst s0  }
0x18: {  	s0 =	sld [smem:$0x3F94];
	_ =	swait.ge [sflag:s4], $0x0  }
0x19: {  	s7 =	sld [smem:$0x3F95]  }
0x1a: {  	s8 =	sadd.s32 $0xFFFFE003, lr  }
0x1b: {  	s9 =	sadd.s32 $0xFFFFFEF7, lr;
	s5 =	simm.s32 $0xFFFFFFFF;
	p2 =	slt.u32 s8, $0xFFFFF086  }
0x1c: {  	p1 =	slt.u32 s9, $0xF7A;
	s5 =	simm.s32 @!p2 $0x0  }
0x1d: {  	s5 =	simm.s32 @p1 $0x1;
	p0 =	seq.s32 s7, s2  }
0x1e: {  	s7 =	smul.u32 @!p0 $0xF7A, s2;
	p2 =	seq.s32 @!p0 s5, $0x0  }
0x1f: {  	s9 =	smul.u32 $0xF7A, s1;
	s8 =	simm.s32 @!p0 $0x1BF5;
	p2 =	por !p2, p0  }
0x20: {  	[sflag:s8] =	ssyncset.s32 @!p0 $0xFFFFF086;
	s6 =	sadd.s32 @!p0 s3, s7;
	s7 =	simm.s32 @!p0 $0x108  }
0x21: {  	s3 =	sadd.s32 s3, s9;
	s6 =	sadd.s32 @!p0 $0x88, s6;
	s7 =	simm.s32 @p2 $0x1082  }
0x22: {  	[simem:s7], [sflag:s8] =	dma.local @!p0 [hbm:s6], $0xF7A  }
0x23: {  	s9 =	sor.u32 $0xD0000000, s2;
	s6 =	simm.s32 $0x108;
	_ =	swait.ge @!p0 [sflag:s8], $0x0  }
0x24: {  	s3 =	sadd.s32 $0x88, s3;
	s6 =	simm.s32 @!p1 $0x1082;
	[sflag:s4] =	ssyncset.s32 $0xFFFFF086  }
0x25: {  	[simem:s6], [sflag:s4] =	dma.local [hbm:s3], $0xF7A  }
0x26: {  	[smem:$0x3F95] =	sst s1;
	(tag) =	ssettag s2;
	_ =	strace s9  }
0x27: {  	s1 =	sld [smem:$0x3FA5]  }
0x28: {  	s2 =	sld [smem:$0x3FA6]  }
0x29: {  	s4 =	sld [smem:$0x3FA8]  }
0x2a: {  	p0 =	seq.s32 s5, $0x0;
	s5 =	sld [smem:$0x3FA9]  }
0x2b: {  	s6 =	sld [smem:$0x3FAA]  }
0x2c: {  	s7 =	sld [smem:$0x3FAB]  }
0x2d: {  	s3 =	simm.s32 $0x108;
	s8 =	sld [smem:$0x3FAC]  }
0x2e: {  	s3 =	simm.s32 @!p0 $0x1082;
	s9 =	sld [smem:$0x3FAD]  }
0x2f: {  	lr =	sadd.s32 s0, s3;
	s0 =	sld [smem:$0x3FA4]  }
0x30: {  	s3 =	sld [smem:$0x3FA7]  }
0x31: {  	[smem:$0x3FB0] =	sst s10  }
0x32: {  	s10 =	sld [smem:$0x3FAE];
	_ =	sdelay $0x3  }
0x33: {  	p0 =	seq.s32 s10, $0x1;
	s10 =	sld [smem:$0x3FB0];
	_ =	sdelay $0x3  }
0x34: {  	[smem:$0x3FB0] =	sst s10  }
0x35: {  	s10 =	sld [smem:$0x3FAF];
	_ =	sdelay $0x3  }
0x36: {  	p1 =	seq.s32 s10, $0x1;
	s10 =	sld [smem:$0x3FB0];
	_ =	sdelay $0x3  }
0x37: {  	[smem:$0x3FB0] =	sst s10  }
0x38: {  	s10 =	sld [smem:$0x3FB1]  }
0x39: {  	_ = 	snop;
	(pc) =	sbr.ind lr, $3  }
0x3a: {  	_ = 	snop  }
0x3b: {  	_ = 	snop  }
0x3c: {  	p2 =	seq.s32 s10, $0x1;
	s10 =	sld [smem:$0x3FB0]  }
0x3d: {  	_ =	shalt  }
0x3e: {  	_ =	shalt  }
0x3f: {  	_ =	shalt  }
0x40: {  	_ =	shalt  }
0x41: {  	_ =	shalt  }
0x42: {  	_ =	shalt  }
0x43: {  	_ =	shalt  }
0x44: {  	_ =	shalt  }
0x45: {  	_ =	shalt  }
0x46: {  	_ =	shalt  }
0x47: {  	_ =	shalt  }
0x48: {  	_ =	shalt  }
0x49: {  	_ =	shalt  }
0x4a: {  	_ =	shalt  }
0x4b: {  	_ =	shalt  }
0x4c: {  	_ =	shalt  }
0x4d: {  	_ =	shalt  }
0x4e: {  	_ =	shalt  }
0x4f: {  	_ =	shalt  }
0x50: {  	_ =	shalt  }
0x51: {  	_ =	shalt  }
0x52: {  	_ =	shalt  }
0x53: {  	_ =	shalt  }
0x54: {  	_ =	shalt  }
0x55: {  	_ =	shalt  }
0x56: {  	_ =	shalt  }
0x57: {  	_ =	shalt  }
0x58: {  	_ =	shalt  }
0x59: {  	_ =	shalt  }
0x5a: {  	_ =	shalt  }
0x5b: {  	_ =	shalt  }
0x5c: {  	_ =	shalt  }
0x5d: {  	_ =	shalt  }
0x5e: {  	_ =	shalt  }
0x5f: {  	_ =	shalt  }
0x60: {  	_ =	shalt  }
0x61: {  	_ =	shalt  }
0x62: {  	_ =	shalt  }
0x63: {  	_ =	shalt  }
0x64: {  	_ =	shalt  }
0x65: {  	_ =	shalt  }
0x66: {  	_ =	shalt  }
0x67: {  	_ =	shalt  }
0x68: {  	_ =	shalt  }
0x69: {  	_ =	shalt  }
0x6a: {  	_ =	shalt  }
0x6b: {  	_ =	shalt  }
0x6c: {  	_ =	shalt  }
0x6d: {  	_ =	shalt  }
0x6e: {  	_ =	shalt  }
0x6f: {  	_ =	shalt  }
0x70: {  	_ =	shalt  }
0x71: {  	_ =	shalt  }
0x72: {  	_ =	shalt  }
0x73: {  	_ =	shalt  }
0x74: {  	_ =	shalt  }
0x75: {  	_ =	shalt  }
0x76: {  	_ =	shalt  }
0x77: {  	_ =	shalt  }
0x78: {  	_ =	shalt  }
0x79: {  	_ =	shalt  }
0x7a: {  	_ =	shalt  }
0x7b: {  	_ =	shalt  }
0x7c: {  	_ =	shalt  }
0x7d: {  	_ =	shalt  }
0x7e: {  	_ =	shalt  }
0x7f: {  	_ =	shalt  }
0x80: {  	_ =	shalt  }
0x81: {  	_ =	shalt  }
0x82: {  	_ =	shalt  }
0x83: {  	_ =	shalt  }
0x84: {  	_ =	shalt  }
0x85: {  	_ =	shalt  }
0x86: {  	_ =	shalt  }
0x87: {  	_ =	shalt  }
.Lfunc_end0:
.L_simem_size_0:
called_computation_lowered:
.L_overlay_start_0:
0x88: {  	s2 =	sld [smem:$0x3FD9]  }
0x89: {  	s3 =	sld [smem:$0x3FFE];
	_ =	sdelay $0x1  }
0x8a: {  	s1 =	srdreg.scid  }
0x8b: {  	s0 =	sand.u32 $0x1, s1  }
0x8c: {  	s17 =	sshll.u32 s0, $0xA;
	s2 =	sadd.s32 s3, s2  }
0x8d: {  	s2 =	sadd.s32 s2, s17  }
0x8e: {  	[smem:$0x3FBC] =	sst s2  }
0x8f: {  	_ = 	snop  }
0x90: {  	s2 =	sld [smem:$0x3FD0];
	(tm) =	ssettm $0x1  }
0x91: {  	s18 =	sld [smem:$0x3FFB];
	_ =	sdelay $0x3  }
0x92: {  	_ =	strace s18  }
0x93: {  	s3 =	sld [smem:$0x3FFC];
	_ =	sdelay $0x3  }
0x94: {  	_ =	strace s3  }
0x95: {  	s3 =	sld [smem:$0x3FFD];
	_ =	sdelay $0x3  }
0x96: {  	_ =	strace s3  }
0x97: {  	_ =	strace $0x8FFFFFFF  }
0x98: {  	s19 =	sld [smem:$0x3FDB];
	_ =	sdelay $0x1  }
0x99: {  	s4 =	simm.s32 $_scs_section_size  }
0x9a: {  	s5 =	simm.s32 $_size__tile_overlayer_lowered;
	s6 =	simm.s32 $_tile_overlayer_lowered  }
0x9b: {  	s22 =	simm.s32 $0x1BFF;
	s21 =	sshll.u32 s6, $0x1;
	s3 =	sadd.s32 s4, s19  }
0x9c: {  	s7 =	simm.s32 $0x0;
	s20 =	sshll.u32 s5, $0x1;
	s5 =	sadd.s32 s21, s3  }
0x9d: {  	[timem:s7], [sflag:s22] =	dma.local [hbm:s5], s20  }
0x9e: {  	_ =	swait.ge [sflag:s22], s20  }
0x9f: {  	s4 =	ssub.s32 $0x0, s20;
	[sflag:s22] =	ssyncset.done $0x0  }
0xa0: {  	[sflag:s22] =	ssyncadd.s32 s4;
	_ =	sdelay $0x1  }
0xa1: {  	s23 =	simm.s32 $0x1B8B  }
0xa2: {  	_ =	swait.ge [sflag:s23], $0x1  }
0xa3: {  	[sflag:s23] =	ssyncset.done $0x0  }
0xa4: {  	s25 =	simm.s32 $0x1B8E;
	s24 =	sld [smem:$0x3FFE];
	[sflag:s23] =	ssyncadd.s32 $0xFFFFFFFF  }
0xa5: {  	s26 =	simm.s32 $execute0_lowered;
	[smem:$0x3FD2] =	sst s25  }
0xa6: {  	s5 =	sshll.u32 s26, $0x1;
	_ =	strace $0x80000046;
	[dreg:$0x1] =	wrdreg $0xFFFFFFFF  }
0xa7: {  	s28 =	simm.s32 $_size_execute0_lowered;
	s3 =	sadd.s32 s3, s5;
	[dreg:$0x0] =	wrdreg $0x0  }
0xa8: {  	s5 =	sshll.u32 s28, $0x1;
	[dreg:$0x2] =	wrdreg s3  }
0xa9: {  	[dreg:$0x3] =	wrdreg s5  }
0xaa: {  	[dreg:$0x4] =	wrdreg $0xC0  }
0xab: {  	_ =	task [dreg:s7], $0x5FFFF  }
0xac: {  	[dreg:$0x1] =	wrdreg $0xFFFFFFFF  }
0xad: {  	[dreg:$0x0] =	wrdreg $0x60  }
0xae: {  	[dreg:$0x2] =	wrdreg s2  }
0xaf: {  	[dreg:$0x3] =	wrdreg s24  }
0xb0: {  	[dreg:$0x4] =	wrdreg $0x8000  }
0xb1: {  	[dreg:$0x5] =	wrdreg $0x9  }
0xb2: {  	_ =	task.clear_ibuf [dreg:s7], $0x6FFFF;
	_ =	strace $0x90000046  }
0xb3: {  	s29 =	simm.s32 $0x9;
	_ =	strace $0x80000048  }
0xb4: {  	_ =	swait.ge [sflag:s29], $0x1  }
0xb5: {  	[sflag:s29] =	ssyncadd.s32 $0xFFFFFFFF  }
0xb6: {  	_ =	strace $0x90000048  }
0xb7: {  	_ =	sfence  }
0xb8: {  	s30 =	sld [smem:$0x0];
	_ =	sdelay $0x2  }
0xb9: {  	s31 =	sshll.u32 s1, $0xD;
	s1 =	sshrl.u32 s1, $0x2  }
0xba: {  	s3 =	sand.u32 $0x4000, s31;
	s1 =	sadd.s32 s1, s30  }
0xbb: {  	s0 =	sor.u32 s3, s0;
	s1 =	sshll.u32 s1, $0x11  }
0xbc: {  	s0 =	sor.u32 s1, s0  }
0xbd: {  	s0 =	sadd.s32 $0x8F2B, s0  }
0xbe: {  	[sflag:s0] =	ssyncadd.remote.s32 $0x1  }
0xbf: {  	_ =	sfence.sel $0xFFFF  }
0xc0: {  	[dreg:$0x0] =	wrdreg $0xFFFFFFFF;
	(pc) =	sbr.abs _section_cstart, $3  }
0xc1: {  	[dreg:$0x1] =	wrdreg $0xFFFFFFFF  }
0xc2: {  	_ =	task.clear_ibuf [dreg:s7], $0x2FFFF;
	_ =	strace $0x9FFFFFFF  }
0xc3: {  	(tm) =	ssettm $0x7FFFFFFF  }
tec
execute0_lowered:
.L_overlay_start_1:
0x0: {  	(tag) =	ssettag $0x1  }
0x1: {  	s6 =	rddreg [dreg:$0x0]  }
0x2: {  	s4 =	rddreg [dreg:$0x1]  }
0x3: {  	s2 =	rddreg [dreg:$0x2];
	s3 =	srdreg.scid  }
0x4: {  	s0 =	rddreg [dreg:$0x3];
	s1 =	stileid.u32;
	s19 =	simm.s32 $0x4A00  }
0x5: {  	s20 =	simm.s32 $0x400;
	s21 =	simm.s32 $0x0;
	s7 =	sand.u32 $0x1, s3  }
0x6: {  	s3 =	simm.s32 $0x0;
	s5 =	smul.u32 $0x280, s1;
	s31 =	sshll.u32 s1, $0x6  }
0x7: {  	s8 =	sshll.u32 s7, $0x4;
	[smem:$0x7FF] =	sst s3;
	s9 =	ssub.s32 $0x2, s7  }
0x8: {  	p0 =	seq.s32 s7, $0x0;
	s8 =	sor.u32 s1, s8;
	s10 =	sshrl.u32 s5, $0x3  }
0x9: {  	s11 =	sshrl.u32 s9, $0x1;
	_ =	strace $0x80000047;
	s18 =	sadd.s32 s5, s2  }
0xa: {  	s5 =	sor.u32 $0x1C01, s31;
	s19 =	simm.s32 @!p0 $0x5000;
	s8 =	smul.u32 $0x2800, s8  }
0xb: {  	s17 =	sadd.s32 s10, s4;
	s9 =	ssub.s32 s9, s11;
	s18 =	sshrl.u32 s18, $0x3  }
0xc: {  	s4 =	sadd.s32 $0x4400, s17;
	s7 =	smax.u32 s9, $0x1;
	s8 =	sshrl.u32 s8, $0x3  }
0xd: {  	s17 =	sadd.s32 s19, s17;
	s19 =	simm.s32 $0x1;
	s6 =	sadd.s32 s6, s8  }
0xe: {  	s8 =	sadd.s32 $0x80, s6;
	s9 =	sadd.s32 $0x100, s6;
	s10 =	sadd.s32 $0x180, s6  }
0xf: {  	s11 =	sadd.s32 $0x200, s6;
	s12 =	sadd.s32 $0x280, s6;
	s13 =	sadd.s32 $0x300, s6  }
0x10: {  	v0 =	vimm.f32 $1.000000000e+00;
	s14 =	sadd.s32 $0x380, s6;
	s15 =	sadd.s32 $0x400, s6;
	s16 =	sadd.s32 $0x480, s6  }
.LBB2_1:
0x11: {  	s22 =	simm.s32 $0x40;
	s23 =	simm.s32 $0x0  }
.LBB2_2:
0x12: {  	p0 =	sne.s32 s22, $0xFC0;
	[tilespmem:s23+$0x400] =	vst v0;
	s23 =	smov.u32 s22;
	s22 =	sadd.s32 $0x40, s22  }
.Ltmp0:
0x13: {  	(pc) =	sbr.rel @p0 .LBB2_2-.Ltmp0, $2  }
0x14: {  	_ =	sdelay $0x2  }
0x15: {  	s23 =	sshra.s32 s23, $0x2  }
0x16: {  	[tilespmem:s23+$0x400] =	vst v0  }
0x17: {  	[spmem:s18], [sflag:s5] =	dma.local [hbm:s4], $0x50  }
0x18: {  	_ =	swait.ge [sflag:s19], $0x50  }
0x19: {  	[sflag:s19] =	ssyncset.done $0x0  }
0x1a: {  	[sflag:s19] =	ssyncadd.s32 $0xFFFFFFB0  }
0x1b: {  	[bflag:$0x0] =	sbarrier.arrive $0xFFFF  }
0x1c: {  	[tilespmem:s3], [sflag:$0x1] =	stream.linear.gather [hbm4b:s6+s3], $0x400, $0x38;
	[tilespmem:$0xA80] =	vst v63  }
0x1d: {  	_ =	swait.ge [sflag:s19], $0x400  }
0x1e: {  	[sflag:s19] =	ssyncset.done $0x0  }
0x1f: {  	[sflag:s19] =	ssyncadd.s32 $0xFFFFFC00  }
0x20: {  	[spmem:s2] =	stream.indirect.scatter.add.f32 [tilespmem:s20], [sflag:$0x1], $0x1, s3, s20, $0xb8;
	[tilespmem:$0xA80] =	vst v63  }
0x21: {  	_ =	swait.ge [sflag:s19], $0x400  }
0x22: {  	[sflag:s19] =	ssyncset.done $0x0  }
0x23: {  	[sflag:s19] =	ssyncadd.s32 $0xFFFFFC00  }
0x24: {  	[tilespmem:s3], [sflag:$0x1] =	stream.linear.gather [hbm4b:s8+s3], $0x400, $0x38;
	[tilespmem:$0xA80] =	vst v63  }
0x25: {  	_ =	swait.ge [sflag:s19], $0x400  }
0x26: {  	[sflag:s19] =	ssyncset.done $0x0  }
0x27: {  	[sflag:s19] =	ssyncadd.s32 $0xFFFFFC00  }
0x28: {  	[spmem:s2] =	stream.indirect.scatter.add.f32 [tilespmem:s20], [sflag:$0x1], $0x1, s3, s20, $0xb8;
	[tilespmem:$0xA80] =	vst v63  }
0x29: {  	_ =	swait.ge [sflag:s19], $0x400  }
0x2a: {  	[sflag:s19] =	ssyncset.done $0x0  }
0x2b: {  	[sflag:s19] =	ssyncadd.s32 $0xFFFFFC00  }
0x2c: {  	[tilespmem:s3], [sflag:$0x1] =	stream.linear.gather [hbm4b:s9+s3], $0x400, $0x38;
	[tilespmem:$0xA80] =	vst v63  }
0x2d: {  	_ =	swait.ge [sflag:s19], $0x400  }
0x2e: {  	[sflag:s19] =	ssyncset.done $0x0  }
0x2f: {  	[sflag:s19] =	ssyncadd.s32 $0xFFFFFC00  }
0x30: {  	[spmem:s2] =	stream.indirect.scatter.add.f32 [tilespmem:s20], [sflag:$0x1], $0x1, s3, s20, $0xb8;
	[tilespmem:$0xA80] =	vst v63  }
0x31: {  	_ =	swait.ge [sflag:s19], $0x400  }
0x32: {  	[sflag:s19] =	ssyncset.done $0x0  }
0x33: {  	[sflag:s19] =	ssyncadd.s32 $0xFFFFFC00  }
0x34: {  	[tilespmem:s3], [sflag:$0x1] =	stream.linear.gather [hbm4b:s10+s3], $0x400, $0x38;
	[tilespmem:$0xA80] =	vst v63  }
0x35: {  	_ =	swait.ge [sflag:s19], $0x400  }
0x36: {  	[sflag:s19] =	ssyncset.done $0x0  }
0x37: {  	[sflag:s19] =	ssyncadd.s32 $0xFFFFFC00  }
0x38: {  	[spmem:s2] =	stream.indirect.scatter.add.f32 [tilespmem:s20], [sflag:$0x1], $0x1, s3, s20, $0xb8;
	[tilespmem:$0xA80] =	vst v63  }
0x39: {  	_ =	swait.ge [sflag:s19], $0x400  }
0x3a: {  	[sflag:s19] =	ssyncset.done $0x0  }
0x3b: {  	[sflag:s19] =	ssyncadd.s32 $0xFFFFFC00  }
0x3c: {  	[tilespmem:s3], [sflag:$0x1] =	stream.linear.gather [hbm4b:s11+s3], $0x400, $0x38;
	[tilespmem:$0xA80] =	vst v63  }
0x3d: {  	_ =	swait.ge [sflag:s19], $0x400  }
0x3e: {  	[sflag:s19] =	ssyncset.done $0x0  }
0x3f: {  	[sflag:s19] =	ssyncadd.s32 $0xFFFFFC00  }
0x40: {  	[spmem:s2] =	stream.indirect.scatter.add.f32 [tilespmem:s20], [sflag:$0x1], $0x1, s3, s20, $0xb8;
	[tilespmem:$0xA80] =	vst v63  }
0x41: {  	_ =	swait.ge [sflag:s19], $0x400  }
0x42: {  	[sflag:s19] =	ssyncset.done $0x0  }
0x43: {  	[sflag:s19] =	ssyncadd.s32 $0xFFFFFC00  }
0x44: {  	[tilespmem:s3], [sflag:$0x1] =	stream.linear.gather [hbm4b:s12+s3], $0x400, $0x38;
	[tilespmem:$0xA80] =	vst v63  }
0x45: {  	_ =	swait.ge [sflag:s19], $0x400  }
0x46: {  	[sflag:s19] =	ssyncset.done $0x0  }
0x47: {  	[sflag:s19] =	ssyncadd.s32 $0xFFFFFC00  }
0x48: {  	[spmem:s2] =	stream.indirect.scatter.add.f32 [tilespmem:s20], [sflag:$0x1], $0x1, s3, s20, $0xb8;
	[tilespmem:$0xA80] =	vst v63  }
0x49: {  	_ =	swait.ge [sflag:s19], $0x400  }
0x4a: {  	[sflag:s19] =	ssyncset.done $0x0  }
0x4b: {  	[sflag:s19] =	ssyncadd.s32 $0xFFFFFC00  }
0x4c: {  	[tilespmem:s3], [sflag:$0x1] =	stream.linear.gather [hbm4b:s13+s3], $0x400, $0x38;
	[tilespmem:$0xA80] =	vst v63  }
0x4d: {  	_ =	swait.ge [sflag:s19], $0x400  }
0x4e: {  	[sflag:s19] =	ssyncset.done $0x0  }
0x4f: {  	[sflag:s19] =	ssyncadd.s32 $0xFFFFFC00  }
0x50: {  	[spmem:s2] =	stream.indirect.scatter.add.f32 [tilespmem:s20], [sflag:$0x1], $0x1, s3, s20, $0xb8;
	[tilespmem:$0xA80] =	vst v63  }
0x51: {  	_ =	swait.ge [sflag:s19], $0x400  }
0x52: {  	[sflag:s19] =	ssyncset.done $0x0  }
0x53: {  	[sflag:s19] =	ssyncadd.s32 $0xFFFFFC00  }
0x54: {  	[tilespmem:s3], [sflag:$0x1] =	stream.linear.gather [hbm4b:s14+s3], $0x400, $0x38;
	[tilespmem:$0xA80] =	vst v63  }
0x55: {  	_ =	swait.ge [sflag:s19], $0x400  }
0x56: {  	[sflag:s19] =	ssyncset.done $0x0  }
0x57: {  	[sflag:s19] =	ssyncadd.s32 $0xFFFFFC00  }
0x58: {  	[spmem:s2] =	stream.indirect.scatter.add.f32 [tilespmem:s20], [sflag:$0x1], $0x1, s3, s20, $0xb8;
	[tilespmem:$0xA80] =	vst v63  }
0x59: {  	_ =	swait.ge [sflag:s19], $0x400  }
0x5a: {  	[sflag:s19] =	ssyncset.done $0x0  }
0x5b: {  	[sflag:s19] =	ssyncadd.s32 $0xFFFFFC00  }
0x5c: {  	[tilespmem:s3], [sflag:$0x1] =	stream.linear.gather [hbm4b:s15+s3], $0x400, $0x38;
	[tilespmem:$0xA80] =	vst v63  }
0x5d: {  	_ =	swait.ge [sflag:s19], $0x400  }
0x5e: {  	[sflag:s19] =	ssyncset.done $0x0  }
0x5f: {  	[sflag:s19] =	ssyncadd.s32 $0xFFFFFC00  }
0x60: {  	[spmem:s2] =	stream.indirect.scatter.add.f32 [tilespmem:s20], [sflag:$0x1], $0x1, s3, s20, $0xb8;
	[tilespmem:$0xA80] =	vst v63  }
0x61: {  	_ =	swait.ge [sflag:s19], $0x400  }
0x62: {  	[sflag:s19] =	ssyncset.done $0x0  }
0x63: {  	[sflag:s19] =	ssyncadd.s32 $0xFFFFFC00  }
0x64: {  	[tilespmem:s3], [sflag:$0x1] =	stream.linear.gather [hbm4b:s16+s3], $0x400, $0x38;
	[tilespmem:$0xA80] =	vst v63  }
0x65: {  	_ =	swait.ge [sflag:s19], $0x400  }
0x66: {  	[sflag:s19] =	ssyncset.done $0x0  }
0x67: {  	[sflag:s19] =	ssyncadd.s32 $0xFFFFFC00  }
0x68: {  	[spmem:s2] =	stream.indirect.scatter.add.f32 [tilespmem:s20], [sflag:$0x1], $0x1, s3, s20, $0xb8;
	[tilespmem:$0xA80] =	vst v63  }
0x69: {  	_ =	swait.ge [sflag:s19], $0x400  }
0x6a: {  	s21 =	sadd.s32 $0x1, s21;
	[sflag:s19] =	ssyncset.done $0x0  }
0x6b: {  	p0 =	sne.s32 s21, s7;
	[sflag:s19] =	ssyncadd.s32 $0xFFFFFC00  }
.Ltmp1:
0x6c: {  	[bflag:$0x0] =	sbarrier.arrive $0xFFFF;
	(pc) =	sbr.rel @p0 .LBB2_1-.Ltmp1, $4  }
0x6d: {  	[hbm:s17], [sflag:s5] =	dma.local [spmem:s18], $0x50  }
0x6e: {  	_ =	swait.ge [sflag:s19], $0x50  }
0x6f: {  	[sflag:s19] =	ssyncset.done $0x0  }
0x70: {  	[sflag:s19] =	ssyncadd.s32 $0xFFFFFFB0  }
0x71: {  	_ =	sfence.sel $0x180000  }
0x72: {  	[bflag:$0x0] =	sbarrier.arrive $0xFFFF  }
0x73: {  	p0 =	sne.s32 s1, $0x0;
	_ =	strace $0x90000047  }
0x74: {  	s0 =	sadd.s32 @!p0 $0x100000, s0;
	[bflag:$0x2] =	sbarrier.arrive $0xFFFF  }
0x75: {  	[sflag:s0] =	ssyncadd.tile.s32 @!p0 $0x1;
	_ =	shalt  }
.Lfunc_end2:
_tile_overlayer_lowered:
.L_overlay_start_2:
0x76: {  	(tag) =	ssettag $0x2  }
0x77: {  	s0 =	rddreg [dreg:$0x0];
	s2 =	stileid.u32  }
0x78: {  	s1 =	rddreg [dreg:$0x1];
	p0 =	sne.s32 s2, $0x0  }
0x79: {  	s3 =	rddreg [dreg:$0x2];
	[bflag:$0x3] =	sbarrier.arrive $0xFFFF;
	s2 =	simm.s32 @!p0 $0x1C01  }
0x7a: {  	[timem:s3], [sflag:s2] =	dma.local @!p0 [hbm:s0], s1  }
0x7b: {  	s0 =	simm.s32 @!p0 $0x1  }
0x7c: {  	_ =	swait.ge @!p0 [sflag:s0], s1  }
0x7d: {  	s1 =	ssub.s32 @!p0 $0x0, s1;
	[sflag:s0] =	ssyncset.done @!p0 $0x0  }
0x7e: {  	[sflag:s0] =	ssyncadd.s32 @!p0 s1  }
0x7f: {  	[bflag:$0x3] =	sbarrier.arrive $0xFFFF  }
0x80: {  	_ =	shalt  }

// kernel: kernel.13.cloned.1.call-start
scs
__scs_entry_jumppad:
0x0: {  	(pc) =	sbr.rel $0x88, $3  }
0x1: {  	(tag) =	ssettag $0x0;
	lr =	simm.s32 $0x1  }
0x2: {  	[smem:$0x3F95] =	sst lr;
	_ =	strace $0xD0000000  }
0x3: {  	_ = 	snop  }
0x4: {  	_ = 	snop  }
0x5: {  	_ = 	snop  }
0x6: {  	_ = 	snop  }
0x7: {  	_ = 	snop  }
__scs_overlays_trampoline_lowered:
0x8: {  	[smem:$0x3FA4] =	sst s0  }
0x9: {  	[smem:$0x3FA5] =	sst s1  }
0xa: {  	[smem:$0x3FA6] =	sst s2  }
0xb: {  	[smem:$0x3FA7] =	sst s3  }
0xc: {  	[smem:$0x3FA8] =	sst s4  }
0xd: {  	[smem:$0x3FA9] =	sst s5  }
0xe: {  	[smem:$0x3FAA] =	sst s6  }
0xf: {  	[smem:$0x3FAB] =	sst s7  }
0x10: {  	[smem:$0x3FAC] =	sst s8  }
0x11: {  	[smem:$0x3FAD] =	sst s9;
	s0 =	simm.s32 @!p0 $0x0  }
0x12: {  	s1 =	sld [smem:$0x3F93];
	s0 =	simm.s32 @p0 $0x1  }
0x13: {  	[smem:$0x3FAE] =	sst s0;
	s0 =	simm.s32 @!p1 $0x0  }
0x14: {  	s2 =	sld [smem:$0x3F92];
	s0 =	simm.s32 @p1 $0x1  }
0x15: {  	[smem:$0x3FAF] =	sst s0;
	s0 =	simm.s32 @!p2 $0x0  }
0x16: {  	s3 =	sld [smem:$0x3FDB];
	s0 =	simm.s32 @p2 $0x1  }
0x17: {  	s4 =	simm.s32 $0x1BF5;
	[smem:$0x3FB1] =	sst s0  }
0x18: {  	s0 =	sld [smem:$0x3F94];
	_ =	swait.ge [sflag:s4], $0x0  }
0x19: {  	s7 =	sld [smem:$0x3F95]  }
0x1a: {  	s8 =	sadd.s32 $0xFFFFE003, lr  }
0x1b: {  	s9 =	sadd.s32 $0xFFFFFEF7, lr;
	s5 =	simm.s32 $0xFFFFFFFF;
	p2 =	slt.u32 s8, $0xFFFFF086  }
0x1c: {  	p1 =	slt.u32 s9, $0xF7A;
	s5 =	simm.s32 @!p2 $0x0  }
0x1d: {  	s5 =	simm.s32 @p1 $0x1;
	p0 =	seq.s32 s7, s2  }
0x1e: {  	s7 =	smul.u32 @!p0 $0xF7A, s2;
	p2 =	seq.s32 @!p0 s5, $0x0  }
0x1f: {  	s9 =	smul.u32 $0xF7A, s1;
	s8 =	simm.s32 @!p0 $0x1BF5;
	p2 =	por !p2, p0  }
0x20: {  	[sflag:s8] =	ssyncset.s32 @!p0 $0xFFFFF086;
	s6 =	sadd.s32 @!p0 s3, s7;
	s7 =	simm.s32 @!p0 $0x108  }
0x21: {  	s3 =	sadd.s32 s3, s9;
	s6 =	sadd.s32 @!p0 $0x88, s6;
	s7 =	simm.s32 @p2 $0x1082  }
0x22: {  	[simem:s7], [sflag:s8] =	dma.local @!p0 [hbm:s6], $0xF7A  }
0x23: {  	s9 =	sor.u32 $0xD0000000, s2;
	s6 =	simm.s32 $0x108;
	_ =	swait.ge @!p0 [sflag:s8], $0x0  }
0x24: {  	s3 =	sadd.s32 $0x88, s3;
	s6 =	simm.s32 @!p1 $0x1082;
	[sflag:s4] =	ssyncset.s32 $0xFFFFF086  }
0x25: {  	[simem:s6], [sflag:s4] =	dma.local [hbm:s3], $0xF7A  }
0x26: {  	[smem:$0x3F95] =	sst s1;
	(tag) =	ssettag s2;
	_ =	strace s9  }
0x27: {  	s1 =	sld [smem:$0x3FA5]  }
0x28: {  	s2 =	sld [smem:$0x3FA6]  }
0x29: {  	s4 =	sld [smem:$0x3FA8]  }
0x2a: {  	p0 =	seq.s32 s5, $0x0;
	s5 =	sld [smem:$0x3FA9]  }
0x2b: {  	s6 =	sld [smem:$0x3FAA]  }
0x2c: {  	s7 =	sld [smem:$0x3FAB]  }
0x2d: {  	s3 =	simm.s32 $0x108;
	s8 =	sld [smem:$0x3FAC]  }
0x2e: {  	s3 =	simm.s32 @!p0 $0x1082;
	s9 =	sld [smem:$0x3FAD]  }
0x2f: {  	lr =	sadd.s32 s0, s3;
	s0 =	sld [smem:$0x3FA4]  }
0x30: {  	s3 =	sld [smem:$0x3FA7]  }
0x31: {  	[smem:$0x3FB0] =	sst s10  }
0x32: {  	s10 =	sld [smem:$0x3FAE];
	_ =	sdelay $0x3  }
0x33: {  	p0 =	seq.s32 s10, $0x1;
	s10 =	sld [smem:$0x3FB0];
	_ =	sdelay $0x3  }
0x34: {  	[smem:$0x3FB0] =	sst s10  }
0x35: {  	s10 =	sld [smem:$0x3FAF];
	_ =	sdelay $0x3  }
0x36: {  	p1 =	seq.s32 s10, $0x1;
	s10 =	sld [smem:$0x3FB0];
	_ =	sdelay $0x3  }
0x37: {  	[smem:$0x3FB0] =	sst s10  }
0x38: {  	s10 =	sld [smem:$0x3FB1]  }
0x39: {  	_ = 	snop;
	(pc) =	sbr.ind lr, $3  }
0x3a: {  	_ = 	snop  }
0x3b: {  	_ = 	snop  }
0x3c: {  	p2 =	seq.s32 s10, $0x1;
	s10 =	sld [smem:$0x3FB0]  }
0x3d: {  	_ =	shalt  }
0x3e: {  	_ =	shalt  }
0x3f: {  	_ =	shalt  }
0x40: {  	_ =	shalt  }
0x41: {  	_ =	shalt  }
0x42: {  	_ =	shalt  }
0x43: {  	_ =	shalt  }
0x44: {  	_ =	shalt  }
0x45: {  	_ =	shalt  }
0x46: {  	_ =	shalt  }
0x47: {  	_ =	shalt  }
0x48: {  	_ =	shalt  }
0x49: {  	_ =	shalt  }
0x4a: {  	_ =	shalt  }
0x4b: {  	_ =	shalt  }
0x4c: {  	_ =	shalt  }
0x4d: {  	_ =	shalt  }
0x4e: {  	_ =	shalt  }
0x4f: {  	_ =	shalt  }
0x50: {  	_ =	shalt  }
0x51: {  	_ =	shalt  }
0x52: {  	_ =	shalt  }
0x53: {  	_ =	shalt  }
0x54: {  	_ =	shalt  }
0x55: {  	_ =	shalt  }
0x56: {  	_ =	shalt  }
0x57: {  	_ =	shalt  }
0x58: {  	_ =	shalt  }
0x59: {  	_ =	shalt  }
0x5a: {  	_ =	shalt  }
0x5b: {  	_ =	shalt  }
0x5c: {  	_ =	shalt  }
0x5d: {  	_ =	shalt  }
0x5e: {  	_ =	shalt  }
0x5f: {  	_ =	shalt  }
0x60: {  	_ =	shalt  }
0x61: {  	_ =	shalt  }
0x62: {  	_ =	shalt  }
0x63: {  	_ =	shalt  }
0x64: {  	_ =	shalt  }
0x65: {  	_ =	shalt  }
0x66: {  	_ =	shalt  }
0x67: {  	_ =	shalt  }
0x68: {  	_ =	shalt  }
0x69: {  	_ =	shalt  }
0x6a: {  	_ =	shalt  }
0x6b: {  	_ =	shalt  }
0x6c: {  	_ =	shalt  }
0x6d: {  	_ =	shalt  }
0x6e: {  	_ =	shalt  }
0x6f: {  	_ =	shalt  }
0x70: {  	_ =	shalt  }
0x71: {  	_ =	shalt  }
0x72: {  	_ =	shalt  }
0x73: {  	_ =	shalt  }
0x74: {  	_ =	shalt  }
0x75: {  	_ =	shalt  }
0x76: {  	_ =	shalt  }
0x77: {  	_ =	shalt  }
0x78: {  	_ =	shalt  }
0x79: {  	_ =	shalt  }
0x7a: {  	_ =	shalt  }
0x7b: {  	_ =	shalt  }
0x7c: {  	_ =	shalt  }
0x7d: {  	_ =	shalt  }
0x7e: {  	_ =	shalt  }
0x7f: {  	_ =	shalt  }
0x80: {  	_ =	shalt  }
0x81: {  	_ =	shalt  }
0x82: {  	_ =	shalt  }
0x83: {  	_ =	shalt  }
0x84: {  	_ =	shalt  }
0x85: {  	_ =	shalt  }
0x86: {  	_ =	shalt  }
0x87: {  	_ =	shalt  }
.Lfunc_end0:
.L_simem_size_0:
called_computation.1_lowered:
.L_overlay_start_0:
0x88: {  	s2 =	sld [smem:$0x3FD9]  }
0x89: {  	s3 =	sld [smem:$0x3FFE];
	_ =	sdelay $0x1  }
0x8a: {  	s1 =	srdreg.scid  }
0x8b: {  	s0 =	sand.u32 $0x1, s1  }
0x8c: {  	s17 =	sshll.u32 s0, $0xA;
	s2 =	sadd.s32 s3, s2  }
0x8d: {  	s2 =	sadd.s32 s2, s17  }
0x8e: {  	[smem:$0x3FBC] =	sst s2  }
0x8f: {  	_ = 	snop  }
0x90: {  	s2 =	sld [smem:$0x3FD0];
	(tm) =	ssettm $0x1  }
0x91: {  	s18 =	sld [smem:$0x3FFB];
	_ =	sdelay $0x3  }
0x92: {  	_ =	strace s18  }
0x93: {  	s3 =	sld [smem:$0x3FFC];
	_ =	sdelay $0x3  }
0x94: {  	_ =	strace s3  }
0x95: {  	s3 =	sld [smem:$0x3FFD];
	_ =	sdelay $0x3  }
0x96: {  	_ =	strace s3  }
0x97: {  	_ =	strace $0x8FFFFFFF  }
0x98: {  	s19 =	sld [smem:$0x3FDB];
	_ =	sdelay $0x1  }
0x99: {  	s4 =	simm.s32 $_scs_section_size  }
0x9a: {  	s5 =	simm.s32 $_size__tile_overlayer_lowered;
	s6 =	simm.s32 $_tile_overlayer_lowered  }
0x9b: {  	s22 =	simm.s32 $0x1BFF;
	s21 =	sshll.u32 s6, $0x1;
	s3 =	sadd.s32 s4, s19  }
0x9c: {  	s7 =	simm.s32 $0x0;
	s20 =	sshll.u32 s5, $0x1;
	s5 =	sadd.s32 s21, s3  }
0x9d: {  	[timem:s7], [sflag:s22] =	dma.local [hbm:s5], s20  }
0x9e: {  	_ =	swait.ge [sflag:s22], s20  }
0x9f: {  	s4 =	ssub.s32 $0x0, s20;
	[sflag:s22] =	ssyncset.done $0x0  }
0xa0: {  	[sflag:s22] =	ssyncadd.s32 s4;
	_ =	sdelay $0x1  }
0xa1: {  	s23 =	simm.s32 $0x1B8B  }
0xa2: {  	_ =	swait.ge [sflag:s23], $0x1  }
0xa3: {  	[sflag:s23] =	ssyncset.done $0x0  }
0xa4: {  	s25 =	simm.s32 $0x1B8E;
	s24 =	sld [smem:$0x3FFE];
	[sflag:s23] =	ssyncadd.s32 $0xFFFFFFFF  }
0xa5: {  	s26 =	simm.s32 $execute0_lowered;
	[smem:$0x3FD2] =	sst s25  }
0xa6: {  	s5 =	sshll.u32 s26, $0x1;
	_ =	strace $0x80000049;
	[dreg:$0x1] =	wrdreg $0xFFFFFFFF  }
0xa7: {  	s28 =	simm.s32 $_size_execute0_lowered;
	s3 =	sadd.s32 s3, s5;
	[dreg:$0x0] =	wrdreg $0x0  }
0xa8: {  	s5 =	sshll.u32 s28, $0x1;
	[dreg:$0x2] =	wrdreg s3  }
0xa9: {  	[dreg:$0x3] =	wrdreg s5  }
0xaa: {  	[dreg:$0x4] =	wrdreg $0xC0  }
0xab: {  	_ =	task [dreg:s7], $0x5FFFF  }
0xac: {  	[dreg:$0x1] =	wrdreg $0xFFFFFFFF  }
0xad: {  	[dreg:$0x0] =	wrdreg $0x60  }
0xae: {  	[dreg:$0x2] =	wrdreg s24  }
0xaf: {  	[dreg:$0x3] =	wrdreg s2  }
0xb0: {  	[dreg:$0x4] =	wrdreg $0x82000  }
0xb1: {  	[dreg:$0x5] =	wrdreg $0x9  }
0xb2: {  	_ =	task.clear_ibuf [dreg:s7], $0x6FFFF;
	_ =	strace $0x90000049  }
0xb3: {  	s29 =	simm.s32 $0x9;
	_ =	strace $0x8000004B  }
0xb4: {  	_ =	swait.ge [sflag:s29], $0x1  }
0xb5: {  	[sflag:s29] =	ssyncadd.s32 $0xFFFFFFFF  }
0xb6: {  	_ =	strace $0x9000004B  }
0xb7: {  	_ =	sfence  }
0xb8: {  	s30 =	sld [smem:$0x0];
	_ =	sdelay $0x2  }
0xb9: {  	s31 =	sshll.u32 s1, $0xD;
	s1 =	sshrl.u32 s1, $0x2  }
0xba: {  	s3 =	sand.u32 $0x4000, s31;
	s1 =	sadd.s32 s1, s30  }
0xbb: {  	s0 =	sor.u32 s3, s0;
	s1 =	sshll.u32 s1, $0x11  }
0xbc: {  	s0 =	sor.u32 s1, s0  }
0xbd: {  	s0 =	sadd.s32 $0x8F2B, s0  }
0xbe: {  	[sflag:s0] =	ssyncadd.remote.s32 $0x1  }
0xbf: {  	_ =	sfence.sel $0xFFFF  }
0xc0: {  	[dreg:$0x0] =	wrdreg $0xFFFFFFFF;
	(pc) =	sbr.abs _section_cstart, $3  }
0xc1: {  	[dreg:$0x1] =	wrdreg $0xFFFFFFFF  }
0xc2: {  	_ =	task.clear_ibuf [dreg:s7], $0x2FFFF;
	_ =	strace $0x9FFFFFFF  }
0xc3: {  	(tm) =	ssettm $0x7FFFFFFF  }
tec
execute0_lowered:
.L_overlay_start_1:
0x0: {  	(tag) =	ssettag $0x1  }
0x1: {  	s5 =	rddreg [dreg:$0x0]  }
0x2: {  	s9 =	rddreg [dreg:$0x1];
	s1 =	srdreg.scid  }
0x3: {  	s0 =	stileid.u32;
	s2 =	rddreg [dreg:$0x2]  }
0x4: {  	s3 =	simm.s32 $0x0;
	s6 =	sand.u32 $0x1, s1;
	s1 =	rddreg [dreg:$0x3]  }
0x5: {  	s16 =	simm.s32 $0x0;
	s8 =	smul.u32 $0x2800, s0;
	[smem:$0x7FF] =	sst s3  }
0x6: {  	s4 =	sadd.s32 $0xF600, s5;
	s10 =	sadd.s32 $0x37600, s5;
	s28 =	smul.u32 $0x50000, s0  }
0x7: {  	s13 =	sadd.s32 $0x5F600, s5;
	s15 =	sadd.s32 $0x87600, s5;
	s31 =	sshll.u32 s0, $0x6  }
0x8: {  	s7 =	smul.u32 $0x28000, s6;
	s14 =	ssub.s32 $0x2, s6;
	p0 =	seq.s32 s6, $0x0  }
0x9: {  	_ =	strace $0x8000004A;
	s29 =	sshrl.u32 s14, $0x1;
	s10 =	smov.u32 @p0 s4  }
0xa: {  	s15 =	smov.u32 @p0 s13;
	s13 =	simm.s32 $0x100;
	s7 =	sadd.s32 s8, s7  }
0xb: {  	s6 =	sadd.s32 s10, s8;
	s8 =	sadd.s32 s15, s8;
	s11 =	sshrl.u32 s7, $0x3  }
0xc: {  	s15 =	simm.s32 $0x1;
	s7 =	sshrl.u32 s28, $0x2;
	s12 =	sadd.s32 s11, s5  }
0xd: {  	s5 =	ssub.s32 s14, s29;
	s30 =	sadd.s32 s7, s2;
	s7 =	sor.u32 $0x1C02, s31  }
0xe: {  	s9 =	sadd.s32 s11, s9;
	s14 =	simm.s32 $0x200;
	s5 =	smax.u32 s5, $0x1  }
0xf: {  	s10 =	sadd.s32 $0x5600, s12;
	s11 =	sshrl.u32 s30, $0x3;
	s12 =	simm.s32 $0x2  }
.LBB2_1:
0x10: {  	[spmem:s11], [sflag:s7] =	dma.local [hbm:s6], $0x2800  }
0x11: {  	_ =	swait.ge [sflag:s12], $0x2800  }
0x12: {  	[sflag:s12] =	ssyncset.done $0x0  }
0x13: {  	[sflag:s12] =	ssyncadd.s32 $0xFFFFD800  }
0x14: {  	s17 =	sadd.s32 $0x0, s10;
	[bflag:$0x0] =	sbarrier.arrive $0xFFFF  }
0x15: {  	[tilespmem:s3], [sflag:$0x2] =	stream.linear.gather [hbm4b:s17+s3], $0x100, $0x38;
	[tilespmem:$0x1C200] =	vst v63  }
0x16: {  	_ =	swait.ge [sflag:s12], $0x100  }
0x17: {  	[sflag:s12] =	ssyncset.done $0x0  }
0x18: {  	s31 =	sadd.s32 $0x0, s9;
	[sflag:s12] =	ssyncadd.s32 $0xFFFFFF00  }
0x19: {  	[tilespmem:s13], [sflag:$0x2] =	stream.linear.gather [hbm4b:s31+s3], $0x100, $0x38;
	[tilespmem:$0x1C200] =	vst v63  }
0x1a: {  	_ =	swait.ge [sflag:s12], $0x100  }
0x1b: {  	[sflag:s12] =	ssyncset.done $0x0  }
0x1c: {  	[sflag:s12] =	ssyncadd.s32 $0xFFFFFF00  }
0x1d: {  	[tilespmem:s14], [sflag:$0x1] =	stream.indirect.gather [hbm4b:s4+s13], $0x80, s3, s13, $0xb8;
	[tilespmem:$0x1C200] =	vst v63  }
0x1e: {  	_ =	swait.ge [sflag:s15], $0x8000  }
0x1f: {  	[sflag:s15] =	ssyncset.done $0x0  }
0x20: {  	[sflag:s15] =	ssyncadd.s32 $0xFFFF8000  }
0x21: {  	[spmem:s2] =	stream.indirect.scatter.add.f32 [tilespmem:s14], [sflag:$0x2], $0x80, s13, s13, $0xb8;
	[tilespmem:$0x1C200] =	vst v63  }
0x22: {  	_ =	swait.ge [sflag:s12], $0x8000  }
0x23: {  	s18 =	simm.s32 $0x40;
	s17 =	simm.s32 $0x20;
	[sflag:s12] =	ssyncset.done $0x0  }
.LBB2_2:
0x24: {  	s19 =	sadd.s32 s17, s10  }
0x25: {  	[sflag:s12] =	ssyncadd.s32 $0xFFFF8000;
	s20 =	smov.u32 s18;
	s21 =	sadd.s32 $0x20, s18  }
0x26: {  	[tilespmem:s3], [sflag:$0x2] =	stream.linear.gather [hbm4b:s19+s3], $0x100, $0x38;
	[tilespmem:$0x1C200] =	vst v63  }
0x27: {  	p0 =	sne.s32 s18, $0x4E0;
	_ =	swait.ge [sflag:s12], $0x100  }
0x28: {  	[sflag:s12] =	ssyncset.done $0x0  }
0x29: {  	s18 =	sadd.s32 s17, s9;
	s17 =	smov.u32 s20;
	[sflag:s12] =	ssyncadd.s32 $0xFFFFFF00  }
0x2a: {  	[tilespmem:s13], [sflag:$0x2] =	stream.linear.gather [hbm4b:s18+s3], $0x100, $0x38;
	[tilespmem:$0x1C200] =	vst v63  }
0x2b: {  	_ =	swait.ge [sflag:s12], $0x100  }
0x2c: {  	[sflag:s12] =	ssyncset.done $0x0  }
0x2d: {  	[sflag:s12] =	ssyncadd.s32 $0xFFFFFF00  }
0x2e: {  	[tilespmem:s14], [sflag:$0x1] =	stream.indirect.gather [hbm4b:s4+s13], $0x80, s3, s13, $0xb8;
	[tilespmem:$0x1C200] =	vst v63  }
0x2f: {  	_ =	swait.ge [sflag:s15], $0x8000  }
.Ltmp0:
0x30: {  	[sflag:s15] =	ssyncset.done $0x0;
	(pc) =	sbr.rel @p0 .LBB2_2-.Ltmp0, $4  }
0x31: {  	[sflag:s15] =	ssyncadd.s32 $0xFFFF8000  }
0x32: {  	[spmem:s2] =	stream.indirect.scatter.add.f32 [tilespmem:s14], [sflag:$0x2], $0x80, s13, s13, $0xb8;
	[tilespmem:$0x1C200] =	vst v63  }
0x33: {  	_ =	swait.ge [sflag:s12], $0x8000  }
0x34: {  	s18 =	smov.u32 s21;
	[sflag:s12] =	ssyncset.done $0x0  }
0x35: {  	s18 =	sadd.s32 s17, s10;
	[sflag:s12] =	ssyncadd.s32 $0xFFFF8000  }
0x36: {  	[tilespmem:s3], [sflag:$0x2] =	stream.linear.gather [hbm4b:s18+s3], $0x100, $0x38;
	[tilespmem:$0x1C200] =	vst v63  }
0x37: {  	_ =	swait.ge [sflag:s12], $0x100  }
0x38: {  	[sflag:s12] =	ssyncset.done $0x0  }
0x39: {  	s31 =	sadd.s32 s17, s9;
	[sflag:s12] =	ssyncadd.s32 $0xFFFFFF00  }
0x3a: {  	[tilespmem:s13], [sflag:$0x2] =	stream.linear.gather [hbm4b:s31+s3], $0x100, $0x38;
	[tilespmem:$0x1C200] =	vst v63  }
0x3b: {  	_ =	swait.ge [sflag:s12], $0x100  }
0x3c: {  	[sflag:s12] =	ssyncset.done $0x0  }
0x3d: {  	[sflag:s12] =	ssyncadd.s32 $0xFFFFFF00  }
0x3e: {  	[tilespmem:s14], [sflag:$0x1] =	stream.indirect.gather [hbm4b:s4+s13], $0x80, s3, s13, $0xb8;
	[tilespmem:$0x1C200] =	vst v63  }
0x3f: {  	_ =	swait.ge [sflag:s15], $0x8000  }
0x40: {  	[sflag:s15] =	ssyncset.done $0x0  }
0x41: {  	[sflag:s15] =	ssyncadd.s32 $0xFFFF8000  }
0x42: {  	[spmem:s2] =	stream.indirect.scatter.add.f32 [tilespmem:s14], [sflag:$0x2], $0x80, s13, s13, $0xb8;
	[tilespmem:$0x1C200] =	vst v63  }
0x43: {  	_ =	swait.ge [sflag:s12], $0x8000  }
0x44: {  	s16 =	sadd.s32 $0x1, s16;
	[sflag:s12] =	ssyncset.done $0x0  }
0x45: {  	p0 =	sne.s32 s16, s5;
	[sflag:s12] =	ssyncadd.s32 $0xFFFF8000  }
.Ltmp1:
0x46: {  	[bflag:$0x0] =	sbarrier.arrive $0xFFFF;
	(pc) =	sbr.rel @p0 .LBB2_1-.Ltmp1, $4  }
0x47: {  	[hbm:s8], [sflag:s7] =	dma.local [spmem:s11], $0x2800  }
0x48: {  	_ =	swait.ge [sflag:s12], $0x2800  }
0x49: {  	[sflag:s12] =	ssyncset.done $0x0  }
0x4a: {  	[sflag:s12] =	ssyncadd.s32 $0xFFFFD800  }
0x4b: {  	_ =	sfence.sel $0x180000  }
0x4c: {  	[bflag:$0x0] =	sbarrier.arrive $0xFFFF  }
0x4d: {  	p0 =	sne.s32 s0, $0x0;
	_ =	strace $0x9000004A  }
0x4e: {  	s0 =	sadd.s32 @!p0 $0x100000, s1;
	[bflag:$0x2] =	sbarrier.arrive $0xFFFF  }
0x4f: {  	[sflag:s0] =	ssyncadd.tile.s32 @!p0 $0x1;
	_ =	shalt  }
.Lfunc_end2:
_tile_overlayer_lowered:
.L_overlay_start_2:
0x50: {  	(tag) =	ssettag $0x2  }
0x51: {  	s0 =	rddreg [dreg:$0x0];
	s2 =	stileid.u32  }
0x52: {  	s1 =	rddreg [dreg:$0x1];
	p0 =	sne.s32 s2, $0x0  }
0x53: {  	s3 =	rddreg [dreg:$0x2];
	[bflag:$0x3] =	sbarrier.arrive $0xFFFF;
	s2 =	simm.s32 @!p0 $0x1C02  }
0x54: {  	[timem:s3], [sflag:s2] =	dma.local @!p0 [hbm:s0], s1  }
0x55: {  	s0 =	simm.s32 @!p0 $0x2  }
0x56: {  	_ =	swait.ge @!p0 [sflag:s0], s1  }
0x57: {  	s1 =	ssub.s32 @!p0 $0x0, s1;
	[sflag:s0] =	ssyncset.done @!p0 $0x0  }
0x58: {  	[sflag:s0] =	ssyncadd.s32 @!p0 s1  }
0x59: {  	[bflag:$0x3] =	sbarrier.arrive $0xFFFF  }
0x5a: {  	_ =	shalt  }

// kernel: kernel.16.cloned.1.call-start
scs
__scs_entry_jumppad:
0x0: {  	(pc) =	sbr.rel $0x88, $3  }
0x1: {  	(tag) =	ssettag $0x0;
	lr =	simm.s32 $0x1  }
0x2: {  	[smem:$0x3F95] =	sst lr;
	_ =	strace $0xD0000000  }
0x3: {  	_ = 	snop  }
0x4: {  	_ = 	snop  }
0x5: {  	_ = 	snop  }
0x6: {  	_ = 	snop  }
0x7: {  	_ = 	snop  }
__scs_overlays_trampoline_lowered:
0x8: {  	[smem:$0x3FA4] =	sst s0  }
0x9: {  	[smem:$0x3FA5] =	sst s1  }
0xa: {  	[smem:$0x3FA6] =	sst s2  }
0xb: {  	[smem:$0x3FA7] =	sst s3  }
0xc: {  	[smem:$0x3FA8] =	sst s4  }
0xd: {  	[smem:$0x3FA9] =	sst s5  }
0xe: {  	[smem:$0x3FAA] =	sst s6  }
0xf: {  	[smem:$0x3FAB] =	sst s7  }
0x10: {  	[smem:$0x3FAC] =	sst s8  }
0x11: {  	[smem:$0x3FAD] =	sst s9;
	s0 =	simm.s32 @!p0 $0x0  }
0x12: {  	s1 =	sld [smem:$0x3F93];
	s0 =	simm.s32 @p0 $0x1  }
0x13: {  	[smem:$0x3FAE] =	sst s0;
	s0 =	simm.s32 @!p1 $0x0  }
0x14: {  	s2 =	sld [smem:$0x3F92];
	s0 =	simm.s32 @p1 $0x1  }
0x15: {  	[smem:$0x3FAF] =	sst s0;
	s0 =	simm.s32 @!p2 $0x0  }
0x16: {  	s3 =	sld [smem:$0x3FDB];
	s0 =	simm.s32 @p2 $0x1  }
0x17: {  	s4 =	simm.s32 $0x1BF5;
	[smem:$0x3FB1] =	sst s0  }
0x18: {  	s0 =	sld [smem:$0x3F94];
	_ =	swait.ge [sflag:s4], $0x0  }
0x19: {  	s7 =	sld [smem:$0x3F95]  }
0x1a: {  	s8 =	sadd.s32 $0xFFFFE003, lr  }
0x1b: {  	s9 =	sadd.s32 $0xFFFFFEF7, lr;
	s5 =	simm.s32 $0xFFFFFFFF;
	p2 =	slt.u32 s8, $0xFFFFF086  }
0x1c: {  	p1 =	slt.u32 s9, $0xF7A;
	s5 =	simm.s32 @!p2 $0x0  }
0x1d: {  	s5 =	simm.s32 @p1 $0x1;
	p0 =	seq.s32 s7, s2  }
0x1e: {  	s7 =	smul.u32 @!p0 $0xF7A, s2;
	p2 =	seq.s32 @!p0 s5, $0x0  }
0x1f: {  	s9 =	smul.u32 $0xF7A, s1;
	s8 =	simm.s32 @!p0 $0x1BF5;
	p2 =	por !p2, p0  }
0x20: {  	[sflag:s8] =	ssyncset.s32 @!p0 $0xFFFFF086;
	s6 =	sadd.s32 @!p0 s3, s7;
	s7 =	simm.s32 @!p0 $0x108  }
0x21: {  	s3 =	sadd.s32 s3, s9;
	s6 =	sadd.s32 @!p0 $0x88, s6;
	s7 =	simm.s32 @p2 $0x1082  }
0x22: {  	[simem:s7], [sflag:s8] =	dma.local @!p0 [hbm:s6], $0xF7A  }
0x23: {  	s9 =	sor.u32 $0xD0000000, s2;
	s6 =	simm.s32 $0x108;
	_ =	swait.ge @!p0 [sflag:s8], $0x0  }
0x24: {  	s3 =	sadd.s32 $0x88, s3;
	s6 =	simm.s32 @!p1 $0x1082;
	[sflag:s4] =	ssyncset.s32 $0xFFFFF086  }
0x25: {  	[simem:s6], [sflag:s4] =	dma.local [hbm:s3], $0xF7A  }
0x26: {  	[smem:$0x3F95] =	sst s1;
	(tag) =	ssettag s2;
	_ =	strace s9  }
0x27: {  	s1 =	sld [smem:$0x3FA5]  }
0x28: {  	s2 =	sld [smem:$0x3FA6]  }
0x29: {  	s4 =	sld [smem:$0x3FA8]  }
0x2a: {  	p0 =	seq.s32 s5, $0x0;
	s5 =	sld [smem:$0x3FA9]  }
0x2b: {  	s6 =	sld [smem:$0x3FAA]  }
0x2c: {  	s7 =	sld [smem:$0x3FAB]  }
0x2d: {  	s3 =	simm.s32 $0x108;
	s8 =	sld [smem:$0x3FAC]  }
0x2e: {  	s3 =	simm.s32 @!p0 $0x1082;
	s9 =	sld [smem:$0x3FAD]  }
0x2f: {  	lr =	sadd.s32 s0, s3;
	s0 =	sld [smem:$0x3FA4]  }
0x30: {  	s3 =	sld [smem:$0x3FA7]  }
0x31: {  	[smem:$0x3FB0] =	sst s10  }
0x32: {  	s10 =	sld [smem:$0x3FAE];
	_ =	sdelay $0x3  }
0x33: {  	p0 =	seq.s32 s10, $0x1;
	s10 =	sld [smem:$0x3FB0];
	_ =	sdelay $0x3  }
0x34: {  	[smem:$0x3FB0] =	sst s10  }
0x35: {  	s10 =	sld [smem:$0x3FAF];
	_ =	sdelay $0x3  }
0x36: {  	p1 =	seq.s32 s10, $0x1;
	s10 =	sld [smem:$0x3FB0];
	_ =	sdelay $0x3  }
0x37: {  	[smem:$0x3FB0] =	sst s10  }
0x38: {  	s10 =	sld [smem:$0x3FB1]  }
0x39: {  	_ = 	snop;
	(pc) =	sbr.ind lr, $3  }
0x3a: {  	_ = 	snop  }
0x3b: {  	_ = 	snop  }
0x3c: {  	p2 =	seq.s32 s10, $0x1;
	s10 =	sld [smem:$0x3FB0]  }
0x3d: {  	_ =	shalt  }
0x3e: {  	_ =	shalt  }
0x3f: {  	_ =	shalt  }
0x40: {  	_ =	shalt  }
0x41: {  	_ =	shalt  }
0x42: {  	_ =	shalt  }
0x43: {  	_ =	shalt  }
0x44: {  	_ =	shalt  }
0x45: {  	_ =	shalt  }
0x46: {  	_ =	shalt  }
0x47: {  	_ =	shalt  }
0x48: {  	_ =	shalt  }
0x49: {  	_ =	shalt  }
0x4a: {  	_ =	shalt  }
0x4b: {  	_ =	shalt  }
0x4c: {  	_ =	shalt  }
0x4d: {  	_ =	shalt  }
0x4e: {  	_ =	shalt  }
0x4f: {  	_ =	shalt  }
0x50: {  	_ =	shalt  }
0x51: {  	_ =	shalt  }
0x52: {  	_ =	shalt  }
0x53: {  	_ =	shalt  }
0x54: {  	_ =	shalt  }
0x55: {  	_ =	shalt  }
0x56: {  	_ =	shalt  }
0x57: {  	_ =	shalt  }
0x58: {  	_ =	shalt  }
0x59: {  	_ =	shalt  }
0x5a: {  	_ =	shalt  }
0x5b: {  	_ =	shalt  }
0x5c: {  	_ =	shalt  }
0x5d: {  	_ =	shalt  }
0x5e: {  	_ =	shalt  }
0x5f: {  	_ =	shalt  }
0x60: {  	_ =	shalt  }
0x61: {  	_ =	shalt  }
0x62: {  	_ =	shalt  }
0x63: {  	_ =	shalt  }
0x64: {  	_ =	shalt  }
0x65: {  	_ =	shalt  }
0x66: {  	_ =	shalt  }
0x67: {  	_ =	shalt  }
0x68: {  	_ =	shalt  }
0x69: {  	_ =	shalt  }
0x6a: {  	_ =	shalt  }
0x6b: {  	_ =	shalt  }
0x6c: {  	_ =	shalt  }
0x6d: {  	_ =	shalt  }
0x6e: {  	_ =	shalt  }
0x6f: {  	_ =	shalt  }
0x70: {  	_ =	shalt  }
0x71: {  	_ =	shalt  }
0x72: {  	_ =	shalt  }
0x73: {  	_ =	shalt  }
0x74: {  	_ =	shalt  }
0x75: {  	_ =	shalt  }
0x76: {  	_ =	shalt  }
0x77: {  	_ =	shalt  }
0x78: {  	_ =	shalt  }
0x79: {  	_ =	shalt  }
0x7a: {  	_ =	shalt  }
0x7b: {  	_ =	shalt  }
0x7c: {  	_ =	shalt  }
0x7d: {  	_ =	shalt  }
0x7e: {  	_ =	shalt  }
0x7f: {  	_ =	shalt  }
0x80: {  	_ =	shalt  }
0x81: {  	_ =	shalt  }
0x82: {  	_ =	shalt  }
0x83: {  	_ =	shalt  }
0x84: {  	_ =	shalt  }
0x85: {  	_ =	shalt  }
0x86: {  	_ =	shalt  }
0x87: {  	_ =	shalt  }
.Lfunc_end0:
.L_simem_size_0:
called_computation.2_lowered:
.L_overlay_start_0:
0x88: {  	s2 =	sld [smem:$0x3FD9]  }
0x89: {  	s3 =	sld [smem:$0x3FFE];
	_ =	sdelay $0x1  }
0x8a: {  	s1 =	srdreg.scid  }
0x8b: {  	s0 =	sand.u32 $0x1, s1  }
0x8c: {  	s17 =	sshll.u32 s0, $0xA;
	s2 =	sadd.s32 s3, s2  }
0x8d: {  	s2 =	sadd.s32 s2, s17  }
0x8e: {  	[smem:$0x3FBC] =	sst s2  }
0x8f: {  	_ = 	snop  }
0x90: {  	s2 =	sld [smem:$0x3FD0];
	(tm) =	ssettm $0x1  }
0x91: {  	s18 =	sld [smem:$0x3FFB];
	_ =	sdelay $0x3  }
0x92: {  	_ =	strace s18  }
0x93: {  	s3 =	sld [smem:$0x3FFC];
	_ =	sdelay $0x3  }
0x94: {  	_ =	strace s3  }
0x95: {  	s3 =	sld [smem:$0x3FFD];
	_ =	sdelay $0x3  }
0x96: {  	_ =	strace s3  }
0x97: {  	_ =	strace $0x8FFFFFFF  }
0x98: {  	s19 =	sld [smem:$0x3FDB];
	_ =	sdelay $0x1  }
0x99: {  	s4 =	simm.s32 $_scs_section_size  }
0x9a: {  	s5 =	simm.s32 $_size__tile_overlayer_lowered;
	s6 =	simm.s32 $_tile_overlayer_lowered  }
0x9b: {  	s22 =	simm.s32 $0x1BFF;
	s21 =	sshll.u32 s6, $0x1;
	s3 =	sadd.s32 s4, s19  }
0x9c: {  	s7 =	simm.s32 $0x0;
	s20 =	sshll.u32 s5, $0x1;
	s5 =	sadd.s32 s21, s3  }
0x9d: {  	[timem:s7], [sflag:s22] =	dma.local [hbm:s5], s20  }
0x9e: {  	_ =	swait.ge [sflag:s22], s20  }
0x9f: {  	s4 =	ssub.s32 $0x0, s20;
	[sflag:s22] =	ssyncset.done $0x0  }
0xa0: {  	[sflag:s22] =	ssyncadd.s32 s4;
	_ =	sdelay $0x1  }
0xa1: {  	s23 =	simm.s32 $0x1B8B  }
0xa2: {  	_ =	swait.ge [sflag:s23], $0x1  }
0xa3: {  	[sflag:s23] =	ssyncset.done $0x0  }
0xa4: {  	s25 =	simm.s32 $0x1B8E;
	s24 =	sld [smem:$0x3FFE];
	[sflag:s23] =	ssyncadd.s32 $0xFFFFFFFF  }
0xa5: {  	s26 =	simm.s32 $execute0_lowered;
	[smem:$0x3FD2] =	sst s25  }
0xa6: {  	s5 =	sshll.u32 s26, $0x1;
	_ =	strace $0x8000004C;
	[dreg:$0x1] =	wrdreg $0xFFFFFFFF  }
0xa7: {  	s28 =	simm.s32 $_size_execute0_lowered;
	s3 =	sadd.s32 s3, s5;
	[dreg:$0x0] =	wrdreg $0x0  }
0xa8: {  	s5 =	sshll.u32 s28, $0x1;
	[dreg:$0x2] =	wrdreg s3  }
0xa9: {  	[dreg:$0x3] =	wrdreg s5  }
0xaa: {  	[dreg:$0x4] =	wrdreg $0xC0  }
0xab: {  	_ =	task [dreg:s7], $0x5FFFF  }
0xac: {  	[dreg:$0x1] =	wrdreg $0xFFFFFFFF  }
0xad: {  	[dreg:$0x0] =	wrdreg $0x60  }
0xae: {  	[dreg:$0x2] =	wrdreg s24  }
0xaf: {  	[dreg:$0x3] =	wrdreg s2  }
0xb0: {  	[dreg:$0x4] =	wrdreg $0x82000  }
0xb1: {  	[dreg:$0x5] =	wrdreg $0x9  }
0xb2: {  	_ =	task.clear_ibuf [dreg:s7], $0x6FFFF;
	_ =	strace $0x9000004C  }
0xb3: {  	s29 =	simm.s32 $0x9;
	_ =	strace $0x8000004E  }
0xb4: {  	_ =	swait.ge [sflag:s29], $0x1  }
0xb5: {  	[sflag:s29] =	ssyncadd.s32 $0xFFFFFFFF  }
0xb6: {  	_ =	strace $0x9000004E  }
0xb7: {  	_ =	sfence  }
0xb8: {  	s30 =	sld [smem:$0x0];
	_ =	sdelay $0x2  }
0xb9: {  	s31 =	sshll.u32 s1, $0xD;
	s1 =	sshrl.u32 s1, $0x2  }
0xba: {  	s3 =	sand.u32 $0x4000, s31;
	s1 =	sadd.s32 s1, s30  }
0xbb: {  	s0 =	sor.u32 s3, s0;
	s1 =	sshll.u32 s1, $0x11  }
0xbc: {  	s0 =	sor.u32 s1, s0  }
0xbd: {  	s0 =	sadd.s32 $0x8F2B, s0  }
0xbe: {  	[sflag:s0] =	ssyncadd.remote.s32 $0x1  }
0xbf: {  	_ =	sfence.sel $0xFFFF  }
0xc0: {  	[dreg:$0x0] =	wrdreg $0xFFFFFFFF;
	(pc) =	sbr.abs _section_cstart, $3  }
0xc1: {  	[dreg:$0x1] =	wrdreg $0xFFFFFFFF  }
0xc2: {  	_ =	task.clear_ibuf [dreg:s7], $0x2FFFF;
	_ =	strace $0x9FFFFFFF  }
0xc3: {  	(tm) =	ssettm $0x7FFFFFFF  }
tec
execute0_lowered:
.L_overlay_start_1:
0x0: {  	(tag) =	ssettag $0x1  }
0x1: {  	s5 =	rddreg [dreg:$0x0]  }
0x2: {  	s9 =	rddreg [dreg:$0x1];
	s1 =	srdreg.scid  }
0x3: {  	s0 =	stileid.u32;
	s2 =	rddreg [dreg:$0x2]  }
0x4: {  	s3 =	simm.s32 $0x0;
	s6 =	sand.u32 $0x1, s1;
	s1 =	rddreg [dreg:$0x3]  }
0x5: {  	s16 =	simm.s32 $0x0;
	s8 =	smul.u32 $0x2800, s0;
	[smem:$0x7FF] =	sst s3  }
0x6: {  	s4 =	sadd.s32 $0xF600, s5;
	s10 =	sadd.s32 $0x37600, s5;
	s28 =	smul.u32 $0x50000, s0  }
0x7: {  	s13 =	sadd.s32 $0x5F600, s5;
	s15 =	sadd.s32 $0x87600, s5;
	s31 =	sshll.u32 s0, $0x6  }
0x8: {  	s7 =	smul.u32 $0x28000, s6;
	s14 =	ssub.s32 $0x2, s6;
	p0 =	seq.s32 s6, $0x0  }
0x9: {  	_ =	strace $0x8000004D;
	s29 =	sshrl.u32 s14, $0x1;
	s10 =	smov.u32 @p0 s4  }
0xa: {  	s15 =	smov.u32 @p0 s13;
	s13 =	simm.s32 $0x100;
	s7 =	sadd.s32 s8, s7  }
0xb: {  	s6 =	sadd.s32 s10, s8;
	s8 =	sadd.s32 s15, s8;
	s11 =	sshrl.u32 s7, $0x3  }
0xc: {  	s15 =	simm.s32 $0x1;
	s7 =	sshrl.u32 s28, $0x2;
	s12 =	sadd.s32 s11, s5  }
0xd: {  	s5 =	ssub.s32 s14, s29;
	s30 =	sadd.s32 s7, s2;
	s7 =	sor.u32 $0x1C02, s31  }
0xe: {  	s9 =	sadd.s32 s11, s9;
	s14 =	simm.s32 $0x200;
	s5 =	smax.u32 s5, $0x1  }
0xf: {  	s10 =	sadd.s32 $0x5600, s12;
	s11 =	sshrl.u32 s30, $0x3;
	s12 =	simm.s32 $0x2  }
.LBB2_1:
0x10: {  	[spmem:s11], [sflag:s7] =	dma.local [hbm:s6], $0x2800  }
0x11: {  	_ =	swait.ge [sflag:s12], $0x2800  }
0x12: {  	[sflag:s12] =	ssyncset.done $0x0  }
0x13: {  	[sflag:s12] =	ssyncadd.s32 $0xFFFFD800  }
0x14: {  	s17 =	sadd.s32 $0x0, s10;
	[bflag:$0x0] =	sbarrier.arrive $0xFFFF  }
0x15: {  	[tilespmem:s3], [sflag:$0x2] =	stream.linear.gather [hbm4b:s17+s3], $0x100, $0x38;
	[tilespmem:$0x1C200] =	vst v63  }
0x16: {  	_ =	swait.ge [sflag:s12], $0x100  }
0x17: {  	[sflag:s12] =	ssyncset.done $0x0  }
0x18: {  	s31 =	sadd.s32 $0x0, s9;
	[sflag:s12] =	ssyncadd.s32 $0xFFFFFF00  }
0x19: {  	[tilespmem:s13], [sflag:$0x2] =	stream.linear.gather [hbm4b:s31+s3], $0x100, $0x38;
	[tilespmem:$0x1C200] =	vst v63  }
0x1a: {  	_ =	swait.ge [sflag:s12], $0x100  }
0x1b: {  	[sflag:s12] =	ssyncset.done $0x0  }
0x1c: {  	[sflag:s12] =	ssyncadd.s32 $0xFFFFFF00  }
0x1d: {  	[tilespmem:s14], [sflag:$0x1] =	stream.indirect.gather [hbm4b:s4+s13], $0x80, s3, s13, $0xb8;
	[tilespmem:$0x1C200] =	vst v63  }
0x1e: {  	_ =	swait.ge [sflag:s15], $0x8000  }
0x1f: {  	[sflag:s15] =	ssyncset.done $0x0  }
0x20: {  	[sflag:s15] =	ssyncadd.s32 $0xFFFF8000  }
0x21: {  	[spmem:s2] =	stream.indirect.scatter.add.f32 [tilespmem:s14], [sflag:$0x2], $0x80, s13, s13, $0xb8;
	[tilespmem:$0x1C200] =	vst v63  }
0x22: {  	_ =	swait.ge [sflag:s12], $0x8000  }
0x23: {  	s18 =	simm.s32 $0x40;
	s17 =	simm.s32 $0x20;
	[sflag:s12] =	ssyncset.done $0x0  }
.LBB2_2:
0x24: {  	s19 =	sadd.s32 s17, s10  }
0x25: {  	[sflag:s12] =	ssyncadd.s32 $0xFFFF8000;
	s20 =	smov.u32 s18;
	s21 =	sadd.s32 $0x20, s18  }
0x26: {  	[tilespmem:s3], [sflag:$0x2] =	stream.linear.gather [hbm4b:s19+s3], $0x100, $0x38;
	[tilespmem:$0x1C200] =	vst v63  }
0x27: {  	p0 =	sne.s32 s18, $0x4E0;
	_ =	swait.ge [sflag:s12], $0x100  }
0x28: {  	[sflag:s12] =	ssyncset.done $0x0  }
0x29: {  	s18 =	sadd.s32 s17, s9;
	s17 =	smov.u32 s20;
	[sflag:s12] =	ssyncadd.s32 $0xFFFFFF00  }
0x2a: {  	[tilespmem:s13], [sflag:$0x2] =	stream.linear.gather [hbm4b:s18+s3], $0x100, $0x38;
	[tilespmem:$0x1C200] =	vst v63  }
0x2b: {  	_ =	swait.ge [sflag:s12], $0x100  }
0x2c: {  	[sflag:s12] =	ssyncset.done $0x0  }
0x2d: {  	[sflag:s12] =	ssyncadd.s32 $0xFFFFFF00  }
0x2e: {  	[tilespmem:s14], [sflag:$0x1] =	stream.indirect.gather [hbm4b:s4+s13], $0x80, s3, s13, $0xb8;
	[tilespmem:$0x1C200] =	vst v63  }
0x2f: {  	_ =	swait.ge [sflag:s15], $0x8000  }
.Ltmp0:
0x30: {  	[sflag:s15] =	ssyncset.done $0x0;
	(pc) =	sbr.rel @p0 .LBB2_2-.Ltmp0, $4  }
0x31: {  	[sflag:s15] =	ssyncadd.s32 $0xFFFF8000  }
0x32: {  	[spmem:s2] =	stream.indirect.scatter.add.f32 [tilespmem:s14], [sflag:$0x2], $0x80, s13, s13, $0xb8;
	[tilespmem:$0x1C200] =	vst v63  }
0x33: {  	_ =	swait.ge [sflag:s12], $0x8000  }
0x34: {  	s18 =	smov.u32 s21;
	[sflag:s12] =	ssyncset.done $0x0  }
0x35: {  	s18 =	sadd.s32 s17, s10;
	[sflag:s12] =	ssyncadd.s32 $0xFFFF8000  }
0x36: {  	[tilespmem:s3], [sflag:$0x2] =	stream.linear.gather [hbm4b:s18+s3], $0x100, $0x38;
	[tilespmem:$0x1C200] =	vst v63  }
0x37: {  	_ =	swait.ge [sflag:s12], $0x100  }
0x38: {  	[sflag:s12] =	ssyncset.done $0x0  }
0x39: {  	s31 =	sadd.s32 s17, s9;
	[sflag:s12] =	ssyncadd.s32 $0xFFFFFF00  }
0x3a: {  	[tilespmem:s13], [sflag:$0x2] =	stream.linear.gather [hbm4b:s31+s3], $0x100, $0x38;
	[tilespmem:$0x1C200] =	vst v63  }
0x3b: {  	_ =	swait.ge [sflag:s12], $0x100  }
0x3c: {  	[sflag:s12] =	ssyncset.done $0x0  }
0x3d: {  	[sflag:s12] =	ssyncadd.s32 $0xFFFFFF00  }
0x3e: {  	[tilespmem:s14], [sflag:$0x1] =	stream.indirect.gather [hbm4b:s4+s13], $0x80, s3, s13, $0xb8;
	[tilespmem:$0x1C200] =	vst v63  }
0x3f: {  	_ =	swait.ge [sflag:s15], $0x8000  }
0x40: {  	[sflag:s15] =	ssyncset.done $0x0  }
0x41: {  	[sflag:s15] =	ssyncadd.s32 $0xFFFF8000  }
0x42: {  	[spmem:s2] =	stream.indirect.scatter.add.f32 [tilespmem:s14], [sflag:$0x2], $0x80, s13, s13, $0xb8;
	[tilespmem:$0x1C200] =	vst v63  }
0x43: {  	_ =	swait.ge [sflag:s12], $0x8000  }
0x44: {  	s16 =	sadd.s32 $0x1, s16;
	[sflag:s12] =	ssyncset.done $0x0  }
0x45: {  	p0 =	sne.s32 s16, s5;
	[sflag:s12] =	ssyncadd.s32 $0xFFFF8000  }
.Ltmp1:
0x46: {  	[bflag:$0x0] =	sbarrier.arrive $0xFFFF;
	(pc) =	sbr.rel @p0 .LBB2_1-.Ltmp1, $4  }
0x47: {  	[hbm:s8], [sflag:s7] =	dma.local [spmem:s11], $0x2800  }
0x48: {  	_ =	swait.ge [sflag:s12], $0x2800  }
0x49: {  	[sflag:s12] =	ssyncset.done $0x0  }
0x4a: {  	[sflag:s12] =	ssyncadd.s32 $0xFFFFD800  }
0x4b: {  	_ =	sfence.sel $0x180000  }
0x4c: {  	[bflag:$0x0] =	sbarrier.arrive $0xFFFF  }
0x4d: {  	p0 =	sne.s32 s0, $0x0;
	_ =	strace $0x9000004D  }
0x4e: {  	s0 =	sadd.s32 @!p0 $0x100000, s1;
	[bflag:$0x2] =	sbarrier.arrive $0xFFFF  }
0x4f: {  	[sflag:s0] =	ssyncadd.tile.s32 @!p0 $0x1;
	_ =	shalt  }
.Lfunc_end2:
_tile_overlayer_lowered:
.L_overlay_start_2:
0x50: {  	(tag) =	ssettag $0x2  }
0x51: {  	s0 =	rddreg [dreg:$0x0];
	s2 =	stileid.u32  }
0x52: {  	s1 =	rddreg [dreg:$0x1];
	p0 =	sne.s32 s2, $0x0  }
0x53: {  	s3 =	rddreg [dreg:$0x2];
	[bflag:$0x3] =	sbarrier.arrive $0xFFFF;
	s2 =	simm.s32 @!p0 $0x1C02  }
0x54: {  	[timem:s3], [sflag:s2] =	dma.local @!p0 [hbm:s0], s1  }
0x55: {  	s0 =	simm.s32 @!p0 $0x2  }
0x56: {  	_ =	swait.ge @!p0 [sflag:s0], s1  }
0x57: {  	s1 =	ssub.s32 @!p0 $0x0, s1;
	[sflag:s0] =	ssyncset.done @!p0 $0x0  }
0x58: {  	[sflag:s0] =	ssyncadd.s32 @!p0 s1  }
0x59: {  	[bflag:$0x3] =	sbarrier.arrive $0xFFFF  }
0x5a: {  	_ =	shalt  }

// kernel: kernel.19.cloned.1.call-start
scs
__scs_entry_jumppad:
0x0: {  	(pc) =	sbr.rel $0x88, $3  }
0x1: {  	(tag) =	ssettag $0x0;
	lr =	simm.s32 $0x1  }
0x2: {  	[smem:$0x3F95] =	sst lr;
	_ =	strace $0xD0000000  }
0x3: {  	_ = 	snop  }
0x4: {  	_ = 	snop  }
0x5: {  	_ = 	snop  }
0x6: {  	_ = 	snop  }
0x7: {  	_ = 	snop  }
__scs_overlays_trampoline_lowered:
0x8: {  	[smem:$0x3FA4] =	sst s0  }
0x9: {  	[smem:$0x3FA5] =	sst s1  }
0xa: {  	[smem:$0x3FA6] =	sst s2  }
0xb: {  	[smem:$0x3FA7] =	sst s3  }
0xc: {  	[smem:$0x3FA8] =	sst s4  }
0xd: {  	[smem:$0x3FA9] =	sst s5  }
0xe: {  	[smem:$0x3FAA] =	sst s6  }
0xf: {  	[smem:$0x3FAB] =	sst s7  }
0x10: {  	[smem:$0x3FAC] =	sst s8  }
0x11: {  	[smem:$0x3FAD] =	sst s9;
	s0 =	simm.s32 @!p0 $0x0  }
0x12: {  	s1 =	sld [smem:$0x3F93];
	s0 =	simm.s32 @p0 $0x1  }
0x13: {  	[smem:$0x3FAE] =	sst s0;
	s0 =	simm.s32 @!p1 $0x0  }
0x14: {  	s2 =	sld [smem:$0x3F92];
	s0 =	simm.s32 @p1 $0x1  }
0x15: {  	[smem:$0x3FAF] =	sst s0;
	s0 =	simm.s32 @!p2 $0x0  }
0x16: {  	s3 =	sld [smem:$0x3FDB];
	s0 =	simm.s32 @p2 $0x1  }
0x17: {  	s4 =	simm.s32 $0x1BF5;
	[smem:$0x3FB1] =	sst s0  }
0x18: {  	s0 =	sld [smem:$0x3F94];
	_ =	swait.ge [sflag:s4], $0x0  }
0x19: {  	s7 =	sld [smem:$0x3F95]  }
0x1a: {  	s8 =	sadd.s32 $0xFFFFE003, lr  }
0x1b: {  	s9 =	sadd.s32 $0xFFFFFEF7, lr;
	s5 =	simm.s32 $0xFFFFFFFF;
	p2 =	slt.u32 s8, $0xFFFFF086  }
0x1c: {  	p1 =	slt.u32 s9, $0xF7A;
	s5 =	simm.s32 @!p2 $0x0  }
0x1d: {  	s5 =	simm.s32 @p1 $0x1;
	p0 =	seq.s32 s7, s2  }
0x1e: {  	s7 =	smul.u32 @!p0 $0xF7A, s2;
	p2 =	seq.s32 @!p0 s5, $0x0  }
0x1f: {  	s9 =	smul.u32 $0xF7A, s1;
	s8 =	simm.s32 @!p0 $0x1BF5;
	p2 =	por !p2, p0  }
0x20: {  	[sflag:s8] =	ssyncset.s32 @!p0 $0xFFFFF086;
	s6 =	sadd.s32 @!p0 s3, s7;
	s7 =	simm.s32 @!p0 $0x108  }
0x21: {  	s3 =	sadd.s32 s3, s9;
	s6 =	sadd.s32 @!p0 $0x88, s6;
	s7 =	simm.s32 @p2 $0x1082  }
0x22: {  	[simem:s7], [sflag:s8] =	dma.local @!p0 [hbm:s6], $0xF7A  }
0x23: {  	s9 =	sor.u32 $0xD0000000, s2;
	s6 =	simm.s32 $0x108;
	_ =	swait.ge @!p0 [sflag:s8], $0x0  }
0x24: {  	s3 =	sadd.s32 $0x88, s3;
	s6 =	simm.s32 @!p1 $0x1082;
	[sflag:s4] =	ssyncset.s32 $0xFFFFF086  }
0x25: {  	[simem:s6], [sflag:s4] =	dma.local [hbm:s3], $0xF7A  }
0x26: {  	[smem:$0x3F95] =	sst s1;
	(tag) =	ssettag s2;
	_ =	strace s9  }
0x27: {  	s1 =	sld [smem:$0x3FA5]  }
0x28: {  	s2 =	sld [smem:$0x3FA6]  }
0x29: {  	s4 =	sld [smem:$0x3FA8]  }
0x2a: {  	p0 =	seq.s32 s5, $0x0;
	s5 =	sld [smem:$0x3FA9]  }
0x2b: {  	s6 =	sld [smem:$0x3FAA]  }
0x2c: {  	s7 =	sld [smem:$0x3FAB]  }
0x2d: {  	s3 =	simm.s32 $0x108;
	s8 =	sld [smem:$0x3FAC]  }
0x2e: {  	s3 =	simm.s32 @!p0 $0x1082;
	s9 =	sld [smem:$0x3FAD]  }
0x2f: {  	lr =	sadd.s32 s0, s3;
	s0 =	sld [smem:$0x3FA4]  }
0x30: {  	s3 =	sld [smem:$0x3FA7]  }
0x31: {  	[smem:$0x3FB0] =	sst s10  }
0x32: {  	s10 =	sld [smem:$0x3FAE];
	_ =	sdelay $0x3  }
0x33: {  	p0 =	seq.s32 s10, $0x1;
	s10 =	sld [smem:$0x3FB0];
	_ =	sdelay $0x3  }
0x34: {  	[smem:$0x3FB0] =	sst s10  }
0x35: {  	s10 =	sld [smem:$0x3FAF];
	_ =	sdelay $0x3  }
0x36: {  	p1 =	seq.s32 s10, $0x1;
	s10 =	sld [smem:$0x3FB0];
	_ =	sdelay $0x3  }
0x37: {  	[smem:$0x3FB0] =	sst s10  }
0x38: {  	s10 =	sld [smem:$0x3FB1]  }
0x39: {  	_ = 	snop;
	(pc) =	sbr.ind lr, $3  }
0x3a: {  	_ = 	snop  }
0x3b: {  	_ = 	snop  }
0x3c: {  	p2 =	seq.s32 s10, $0x1;
	s10 =	sld [smem:$0x3FB0]  }
0x3d: {  	_ =	shalt  }
0x3e: {  	_ =	shalt  }
0x3f: {  	_ =	shalt  }
0x40: {  	_ =	shalt  }
0x41: {  	_ =	shalt  }
0x42: {  	_ =	shalt  }
0x43: {  	_ =	shalt  }
0x44: {  	_ =	shalt  }
0x45: {  	_ =	shalt  }
0x46: {  	_ =	shalt  }
0x47: {  	_ =	shalt  }
0x48: {  	_ =	shalt  }
0x49: {  	_ =	shalt  }
0x4a: {  	_ =	shalt  }
0x4b: {  	_ =	shalt  }
0x4c: {  	_ =	shalt  }
0x4d: {  	_ =	shalt  }
0x4e: {  	_ =	shalt  }
0x4f: {  	_ =	shalt  }
0x50: {  	_ =	shalt  }
0x51: {  	_ =	shalt  }
0x52: {  	_ =	shalt  }
0x53: {  	_ =	shalt  }
0x54: {  	_ =	shalt  }
0x55: {  	_ =	shalt  }
0x56: {  	_ =	shalt  }
0x57: {  	_ =	shalt  }
0x58: {  	_ =	shalt  }
0x59: {  	_ =	shalt  }
0x5a: {  	_ =	shalt  }
0x5b: {  	_ =	shalt  }
0x5c: {  	_ =	shalt  }
0x5d: {  	_ =	shalt  }
0x5e: {  	_ =	shalt  }
0x5f: {  	_ =	shalt  }
0x60: {  	_ =	shalt  }
0x61: {  	_ =	shalt  }
0x62: {  	_ =	shalt  }
0x63: {  	_ =	shalt  }
0x64: {  	_ =	shalt  }
0x65: {  	_ =	shalt  }
0x66: {  	_ =	shalt  }
0x67: {  	_ =	shalt  }
0x68: {  	_ =	shalt  }
0x69: {  	_ =	shalt  }
0x6a: {  	_ =	shalt  }
0x6b: {  	_ =	shalt  }
0x6c: {  	_ =	shalt  }
0x6d: {  	_ =	shalt  }
0x6e: {  	_ =	shalt  }
0x6f: {  	_ =	shalt  }
0x70: {  	_ =	shalt  }
0x71: {  	_ =	shalt  }
0x72: {  	_ =	shalt  }
0x73: {  	_ =	shalt  }
0x74: {  	_ =	shalt  }
0x75: {  	_ =	shalt  }
0x76: {  	_ =	shalt  }
0x77: {  	_ =	shalt  }
0x78: {  	_ =	shalt  }
0x79: {  	_ =	shalt  }
0x7a: {  	_ =	shalt  }
0x7b: {  	_ =	shalt  }
0x7c: {  	_ =	shalt  }
0x7d: {  	_ =	shalt  }
0x7e: {  	_ =	shalt  }
0x7f: {  	_ =	shalt  }
0x80: {  	_ =	shalt  }
0x81: {  	_ =	shalt  }
0x82: {  	_ =	shalt  }
0x83: {  	_ =	shalt  }
0x84: {  	_ =	shalt  }
0x85: {  	_ =	shalt  }
0x86: {  	_ =	shalt  }
0x87: {  	_ =	shalt  }
.Lfunc_end0:
.L_simem_size_0:
called_computation.3_lowered:
.L_overlay_start_0:
0x88: {  	s2 =	sld [smem:$0x3FD9]  }
0x89: {  	s3 =	sld [smem:$0x3FFE];
	_ =	sdelay $0x1  }
0x8a: {  	s1 =	srdreg.scid  }
0x8b: {  	s0 =	sand.u32 $0x1, s1  }
0x8c: {  	s17 =	sshll.u32 s0, $0xA;
	s2 =	sadd.s32 s3, s2  }
0x8d: {  	s2 =	sadd.s32 s2, s17  }
0x8e: {  	[smem:$0x3FBC] =	sst s2  }
0x8f: {  	_ = 	snop  }
0x90: {  	s2 =	sld [smem:$0x3FD0];
	(tm) =	ssettm $0x1  }
0x91: {  	s18 =	sld [smem:$0x3FFB];
	_ =	sdelay $0x3  }
0x92: {  	_ =	strace s18  }
0x93: {  	s3 =	sld [smem:$0x3FFC];
	_ =	sdelay $0x3  }
0x94: {  	_ =	strace s3  }
0x95: {  	s3 =	sld [smem:$0x3FFD];
	_ =	sdelay $0x3  }
0x96: {  	_ =	strace s3  }
0x97: {  	_ =	strace $0x8FFFFFFF  }
0x98: {  	s19 =	sld [smem:$0x3FDB];
	_ =	sdelay $0x1  }
0x99: {  	s4 =	simm.s32 $_scs_section_size  }
0x9a: {  	s5 =	simm.s32 $_size__tile_overlayer_lowered;
	s6 =	simm.s32 $_tile_overlayer_lowered  }
0x9b: {  	s22 =	simm.s32 $0x1BFF;
	s21 =	sshll.u32 s6, $0x1;
	s3 =	sadd.s32 s4, s19  }
0x9c: {  	s7 =	simm.s32 $0x0;
	s20 =	sshll.u32 s5, $0x1;
	s5 =	sadd.s32 s21, s3  }
0x9d: {  	[timem:s7], [sflag:s22] =	dma.local [hbm:s5], s20  }
0x9e: {  	_ =	swait.ge [sflag:s22], s20  }
0x9f: {  	s4 =	ssub.s32 $0x0, s20;
	[sflag:s22] =	ssyncset.done $0x0  }
0xa0: {  	[sflag:s22] =	ssyncadd.s32 s4;
	_ =	sdelay $0x1  }
0xa1: {  	s23 =	simm.s32 $0x1B8B  }
0xa2: {  	_ =	swait.ge [sflag:s23], $0x1  }
0xa3: {  	[sflag:s23] =	ssyncset.done $0x0  }
0xa4: {  	s25 =	simm.s32 $0x1B8E;
	s24 =	sld [smem:$0x3FFE];
	[sflag:s23] =	ssyncadd.s32 $0xFFFFFFFF  }
0xa5: {  	s26 =	simm.s32 $execute0_lowered;
	[smem:$0x3FD2] =	sst s25  }
0xa6: {  	s5 =	sshll.u32 s26, $0x1;
	_ =	strace $0x8000004F;
	[dreg:$0x1] =	wrdreg $0xFFFFFFFF  }
0xa7: {  	s28 =	simm.s32 $_size_execute0_lowered;
	s3 =	sadd.s32 s3, s5;
	[dreg:$0x0] =	wrdreg $0x0  }
0xa8: {  	s5 =	sshll.u32 s28, $0x1;
	[dreg:$0x2] =	wrdreg s3  }
0xa9: {  	[dreg:$0x3] =	wrdreg s5  }
0xaa: {  	[dreg:$0x4] =	wrdreg $0xC0  }
0xab: {  	_ =	task [dreg:s7], $0x5FFFF  }
0xac: {  	[dreg:$0x1] =	wrdreg $0xFFFFFFFF  }
0xad: {  	[dreg:$0x0] =	wrdreg $0x60  }
0xae: {  	[dreg:$0x2] =	wrdreg s24  }
0xaf: {  	[dreg:$0x3] =	wrdreg s2  }
0xb0: {  	[dreg:$0x4] =	wrdreg $0x82000  }
0xb1: {  	[dreg:$0x5] =	wrdreg $0x9  }
0xb2: {  	_ =	task.clear_ibuf [dreg:s7], $0x6FFFF;
	_ =	strace $0x9000004F  }
0xb3: {  	s29 =	simm.s32 $0x9;
	_ =	strace $0x80000051  }
0xb4: {  	_ =	swait.ge [sflag:s29], $0x1  }
0xb5: {  	[sflag:s29] =	ssyncadd.s32 $0xFFFFFFFF  }
0xb6: {  	_ =	strace $0x90000051  }
0xb7: {  	_ =	sfence  }
0xb8: {  	s30 =	sld [smem:$0x0];
	_ =	sdelay $0x2  }
0xb9: {  	s31 =	sshll.u32 s1, $0xD;
	s1 =	sshrl.u32 s1, $0x2  }
0xba: {  	s3 =	sand.u32 $0x4000, s31;
	s1 =	sadd.s32 s1, s30  }
0xbb: {  	s0 =	sor.u32 s3, s0;
	s1 =	sshll.u32 s1, $0x11  }
0xbc: {  	s0 =	sor.u32 s1, s0  }
0xbd: {  	s0 =	sadd.s32 $0x8F2B, s0  }
0xbe: {  	[sflag:s0] =	ssyncadd.remote.s32 $0x1  }
0xbf: {  	_ =	sfence.sel $0xFFFF  }
0xc0: {  	[dreg:$0x0] =	wrdreg $0xFFFFFFFF;
	(pc) =	sbr.abs _section_cstart, $3  }
0xc1: {  	[dreg:$0x1] =	wrdreg $0xFFFFFFFF  }
0xc2: {  	_ =	task.clear_ibuf [dreg:s7], $0x2FFFF;
	_ =	strace $0x9FFFFFFF  }
0xc3: {  	(tm) =	ssettm $0x7FFFFFFF  }
tec
execute0_lowered:
.L_overlay_start_1:
0x0: {  	(tag) =	ssettag $0x1  }
0x1: {  	s5 =	rddreg [dreg:$0x0]  }
0x2: {  	s9 =	rddreg [dreg:$0x1];
	s1 =	srdreg.scid  }
0x3: {  	s0 =	stileid.u32;
	s2 =	rddreg [dreg:$0x2]  }
0x4: {  	s3 =	simm.s32 $0x0;
	s6 =	sand.u32 $0x1, s1;
	s1 =	rddreg [dreg:$0x3]  }
0x5: {  	s16 =	simm.s32 $0x0;
	s8 =	smul.u32 $0x2800, s0;
	[smem:$0x7FF] =	sst s3  }
0x6: {  	s4 =	sadd.s32 $0xF600, s5;
	s10 =	sadd.s32 $0x37600, s5;
	s28 =	smul.u32 $0x50000, s0  }
0x7: {  	s13 =	sadd.s32 $0x5F600, s5;
	s15 =	sadd.s32 $0x87600, s5;
	s31 =	sshll.u32 s0, $0x6  }
0x8: {  	s7 =	smul.u32 $0x28000, s6;
	s14 =	ssub.s32 $0x2, s6;
	p0 =	seq.s32 s6, $0x0  }
0x9: {  	_ =	strace $0x80000050;
	s29 =	sshrl.u32 s14, $0x1;
	s10 =	smov.u32 @p0 s4  }
0xa: {  	s15 =	smov.u32 @p0 s13;
	s13 =	simm.s32 $0x100;
	s7 =	sadd.s32 s8, s7  }
0xb: {  	s6 =	sadd.s32 s10, s8;
	s8 =	sadd.s32 s15, s8;
	s11 =	sshrl.u32 s7, $0x3  }
0xc: {  	s15 =	simm.s32 $0x1;
	s7 =	sshrl.u32 s28, $0x2;
	s12 =	sadd.s32 s11, s5  }
0xd: {  	s5 =	ssub.s32 s14, s29;
	s30 =	sadd.s32 s7, s2;
	s7 =	sor.u32 $0x1C02, s31  }
0xe: {  	s9 =	sadd.s32 s11, s9;
	s14 =	simm.s32 $0x200;
	s5 =	smax.u32 s5, $0x1  }
0xf: {  	s10 =	sadd.s32 $0x5600, s12;
	s11 =	sshrl.u32 s30, $0x3;
	s12 =	simm.s32 $0x2  }
.LBB2_1:
0x10: {  	[spmem:s11], [sflag:s7] =	dma.local [hbm:s6], $0x2800  }
0x11: {  	_ =	swait.ge [sflag:s12], $0x2800  }
0x12: {  	[sflag:s12] =	ssyncset.done $0x0  }
0x13: {  	[sflag:s12] =	ssyncadd.s32 $0xFFFFD800  }
0x14: {  	s17 =	sadd.s32 $0x0, s10;
	[bflag:$0x0] =	sbarrier.arrive $0xFFFF  }
0x15: {  	[tilespmem:s3], [sflag:$0x2] =	stream.linear.gather [hbm4b:s17+s3], $0x100, $0x38;
	[tilespmem:$0x1C200] =	vst v63  }
0x16: {  	_ =	swait.ge [sflag:s12], $0x100  }
0x17: {  	[sflag:s12] =	ssyncset.done $0x0  }
0x18: {  	s31 =	sadd.s32 $0x0, s9;
	[sflag:s12] =	ssyncadd.s32 $0xFFFFFF00  }
0x19: {  	[tilespmem:s13], [sflag:$0x2] =	stream.linear.gather [hbm4b:s31+s3], $0x100, $0x38;
	[tilespmem:$0x1C200] =	vst v63  }
0x1a: {  	_ =	swait.ge [sflag:s12], $0x100  }
0x1b: {  	[sflag:s12] =	ssyncset.done $0x0  }
0x1c: {  	[sflag:s12] =	ssyncadd.s32 $0xFFFFFF00  }
0x1d: {  	[tilespmem:s14], [sflag:$0x1] =	stream.indirect.gather [hbm4b:s4+s13], $0x80, s3, s13, $0xb8;
	[tilespmem:$0x1C200] =	vst v63  }
0x1e: {  	_ =	swait.ge [sflag:s15], $0x8000  }
0x1f: {  	[sflag:s15] =	ssyncset.done $0x0  }
0x20: {  	[sflag:s15] =	ssyncadd.s32 $0xFFFF8000  }
0x21: {  	[spmem:s2] =	stream.indirect.scatter.add.f32 [tilespmem:s14], [sflag:$0x2], $0x80, s13, s13, $0xb8;
	[tilespmem:$0x1C200] =	vst v63  }
0x22: {  	_ =	swait.ge [sflag:s12], $0x8000  }
0x23: {  	s18 =	simm.s32 $0x40;
	s17 =	simm.s32 $0x20;
	[sflag:s12] =	ssyncset.done $0x0  }
.LBB2_2:
0x24: {  	s19 =	sadd.s32 s17, s10  }
0x25: {  	[sflag:s12] =	ssyncadd.s32 $0xFFFF8000;
	s20 =	smov.u32 s18;
	s21 =	sadd.s32 $0x20, s18  }
0x26: {  	[tilespmem:s3], [sflag:$0x2] =	stream.linear.gather [hbm4b:s19+s3], $0x100, $0x38;
	[tilespmem:$0x1C200] =	vst v63  }
0x27: {  	p0 =	sne.s32 s18, $0x4E0;
	_ =	swait.ge [sflag:s12], $0x100  }
0x28: {  	[sflag:s12] =	ssyncset.done $0x0  }
0x29: {  	s18 =	sadd.s32 s17, s9;
	s17 =	smov.u32 s20;
	[sflag:s12] =	ssyncadd.s32 $0xFFFFFF00  }
0x2a: {  	[tilespmem:s13], [sflag:$0x2] =	stream.linear.gather [hbm4b:s18+s3], $0x100, $0x38;
	[tilespmem:$0x1C200] =	vst v63  }
0x2b: {  	_ =	swait.ge [sflag:s12], $0x100  }
0x2c: {  	[sflag:s12] =	ssyncset.done $0x0  }
0x2d: {  	[sflag:s12] =	ssyncadd.s32 $0xFFFFFF00  }
0x2e: {  	[tilespmem:s14], [sflag:$0x1] =	stream.indirect.gather [hbm4b:s4+s13], $0x80, s3, s13, $0xb8;
	[tilespmem:$0x1C200] =	vst v63  }
0x2f: {  	_ =	swait.ge [sflag:s15], $0x8000  }
.Ltmp0:
0x30: {  	[sflag:s15] =	ssyncset.done $0x0;
	(pc) =	sbr.rel @p0 .LBB2_2-.Ltmp0, $4  }
0x31: {  	[sflag:s15] =	ssyncadd.s32 $0xFFFF8000  }
0x32: {  	[spmem:s2] =	stream.indirect.scatter.add.f32 [tilespmem:s14], [sflag:$0x2], $0x80, s13, s13, $0xb8;
	[tilespmem:$0x1C200] =	vst v63  }
0x33: {  	_ =	swait.ge [sflag:s12], $0x8000  }
0x34: {  	s18 =	smov.u32 s21;
	[sflag:s12] =	ssyncset.done $0x0  }
0x35: {  	s18 =	sadd.s32 s17, s10;
	[sflag:s12] =	ssyncadd.s32 $0xFFFF8000  }
0x36: {  	[tilespmem:s3], [sflag:$0x2] =	stream.linear.gather [hbm4b:s18+s3], $0x100, $0x38;
	[tilespmem:$0x1C200] =	vst v63  }
0x37: {  	_ =	swait.ge [sflag:s12], $0x100  }
0x38: {  	[sflag:s12] =	ssyncset.done $0x0  }
0x39: {  	s31 =	sadd.s32 s17, s9;
	[sflag:s12] =	ssyncadd.s32 $0xFFFFFF00  }
0x3a: {  	[tilespmem:s13], [sflag:$0x2] =	stream.linear.gather [hbm4b:s31+s3], $0x100, $0x38;
	[tilespmem:$0x1C200] =	vst v63  }
0x3b: {  	_ =	swait.ge [sflag:s12], $0x100  }
0x3c: {  	[sflag:s12] =	ssyncset.done $0x0  }
0x3d: {  	[sflag:s12] =	ssyncadd.s32 $0xFFFFFF00  }
0x3e: {  	[tilespmem:s14], [sflag:$0x1] =	stream.indirect.gather [hbm4b:s4+s13], $0x80, s3, s13, $0xb8;
	[tilespmem:$0x1C200] =	vst v63  }
0x3f: {  	_ =	swait.ge [sflag:s15], $0x8000  }
0x40: {  	[sflag:s15] =	ssyncset.done $0x0  }
0x41: {  	[sflag:s15] =	ssyncadd.s32 $0xFFFF8000  }
0x42: {  	[spmem:s2] =	stream.indirect.scatter.add.f32 [tilespmem:s14], [sflag:$0x2], $0x80, s13, s13, $0xb8;
	[tilespmem:$0x1C200] =	vst v63  }
0x43: {  	_ =	swait.ge [sflag:s12], $0x8000  }
0x44: {  	s16 =	sadd.s32 $0x1, s16;
	[sflag:s12] =	ssyncset.done $0x0  }
0x45: {  	p0 =	sne.s32 s16, s5;
	[sflag:s12] =	ssyncadd.s32 $0xFFFF8000  }
.Ltmp1:
0x46: {  	[bflag:$0x0] =	sbarrier.arrive $0xFFFF;
	(pc) =	sbr.rel @p0 .LBB2_1-.Ltmp1, $4  }
0x47: {  	[hbm:s8], [sflag:s7] =	dma.local [spmem:s11], $0x2800  }
0x48: {  	_ =	swait.ge [sflag:s12], $0x2800  }
0x49: {  	[sflag:s12] =	ssyncset.done $0x0  }
0x4a: {  	[sflag:s12] =	ssyncadd.s32 $0xFFFFD800  }
0x4b: {  	_ =	sfence.sel $0x180000  }
0x4c: {  	[bflag:$0x0] =	sbarrier.arrive $0xFFFF  }
0x4d: {  	p0 =	sne.s32 s0, $0x0;
	_ =	strace $0x90000050  }
0x4e: {  	s0 =	sadd.s32 @!p0 $0x100000, s1;
	[bflag:$0x2] =	sbarrier.arrive $0xFFFF  }
0x4f: {  	[sflag:s0] =	ssyncadd.tile.s32 @!p0 $0x1;
	_ =	shalt  }
.Lfunc_end2:
_tile_overlayer_lowered:
.L_overlay_start_2:
0x50: {  	(tag) =	ssettag $0x2  }
0x51: {  	s0 =	rddreg [dreg:$0x0];
	s2 =	stileid.u32  }
0x52: {  	s1 =	rddreg [dreg:$0x1];
	p0 =	sne.s32 s2, $0x0  }
0x53: {  	s3 =	rddreg [dreg:$0x2];
	[bflag:$0x3] =	sbarrier.arrive $0xFFFF;
	s2 =	simm.s32 @!p0 $0x1C02  }
0x54: {  	[timem:s3], [sflag:s2] =	dma.local @!p0 [hbm:s0], s1  }
0x55: {  	s0 =	simm.s32 @!p0 $0x2  }
0x56: {  	_ =	swait.ge @!p0 [sflag:s0], s1  }
0x57: {  	s1 =	ssub.s32 @!p0 $0x0, s1;
	[sflag:s0] =	ssyncset.done @!p0 $0x0  }
0x58: {  	[sflag:s0] =	ssyncadd.s32 @!p0 s1  }
0x59: {  	[bflag:$0x3] =	sbarrier.arrive $0xFFFF  }
0x5a: {  	_ =	shalt  }

</sc_bundles>
